<compile_context>
chip_gen: v7x
topology: tpu7x:2x2x1
jax: 0.10.2.dev20260603
libtpu: 0.0.44.dev20260713+nightly
codegen_flags: <defaults>
</compile_context>

<pallas_src>
import functools
import jax
import jax.numpy as jnp
from jax import lax
from jax.experimental import pallas as pl
from jax.experimental.pallas import tpu as pltpu, tpu_sc as plsc

_SEQ, _HID, _FF, _E = 2048, 1024, 2048, 8
_CHUNK = _SEQ // _E
_LANES = 128
_FT = 512
_FN = _FF // _FT


def _make_sc_router():
    info = plsc.get_sparse_core_info()
    nc, ns, lanes = info.num_cores, info.num_subcores, info.num_lanes
    nw = nc * ns
    tok_w = _SEQ // nw
    ngrp = tok_w // lanes
    mesh = plsc.VectorSubcoreMesh(core_axis_name="c", subcore_axis_name="s")

    @functools.partial(
        pl.kernel, mesh=mesh,
        out_type=jax.ShapeDtypeStruct((nw, _E * tok_w), jnp.float32),
        scratch_types=[
            pltpu.VMEM((_E * _SEQ,), jnp.float32),
            pltpu.VMEM((_E * tok_w,), jnp.float32),
        ],
    )
    def sc_router(lg_hbm, out_hbm, lg_v, sc_v):
        wid = lax.axis_index("s") * nc + lax.axis_index("c")
        base = wid * tok_w
        pltpu.sync_copy(lg_hbm, lg_v)
        for j in range(ngrp):
            le = []
            for e in range(_E):
                le.append(lg_v[pl.ds(e * _SEQ + base + j * lanes, lanes)])
            m1 = le[0]
            for e in range(1, _E):
                m1 = jnp.maximum(m1, le[e])
            big = lax.full((lanes,), 99, jnp.int32)
            i1 = big
            for e in range(_E):
                i1 = jnp.minimum(i1, jnp.where(le[e] == m1, e, big))
            neg = lax.full((lanes,), -jnp.inf, jnp.float32)
            l2 = [jnp.where(i1 == e, neg, le[e]) for e in range(_E)]
            m2 = l2[0]
            for e in range(1, _E):
                m2 = jnp.maximum(m2, l2[e])
            i2 = big
            for e in range(_E):
                i2 = jnp.minimum(i2, jnp.where(l2[e] == m2, e, big))
            for e in range(_E):
                sig = 1.0 / (1.0 + jnp.exp(-le[e]))
                sel = (i1 == e) | (i2 == e)
                sc_v[pl.ds(e * tok_w + j * lanes, lanes)] = \
                    jnp.where(sel, sig, 0.0)
        pltpu.sync_copy(sc_v, out_hbm.at[wid])

    return sc_router


_sc_router = _make_sc_router()


def _moe_body(x_ref, wr_ref, wg_ref, wu_ref, wsg_ref, wsu_ref, wd_ref,
              wsd_ref, out_ref):
    c = pl.program_id(0)
    f = pl.program_id(1)
    rows = pl.ds(c * _CHUNK, _CHUNK)
    cols = pl.ds(f * _FT, _FT)

    x16 = x_ref[rows, :].astype(jnp.bfloat16)

    logits = jnp.dot(x16, wr_ref[...], preferred_element_type=jnp.float32)
    lane = jax.lax.broadcasted_iota(jnp.int32, logits.shape, 1)
    neg_inf = jnp.float32(-jnp.inf)
    l = jnp.where(lane < _E, logits, neg_inf)
    v1 = jnp.max(l, axis=1, keepdims=True)
    i1 = jnp.min(jnp.where(l == v1, lane, _LANES), axis=1, keepdims=True)
    l2 = jnp.where(lane == i1, neg_inf, l)
    v2 = jnp.max(l2, axis=1, keepdims=True)
    s1 = jax.nn.sigmoid(v1)
    s2 = jax.nn.sigmoid(v2)

    g = jnp.dot(x16, wg_ref[0].astype(jnp.bfloat16),
                preferred_element_type=jnp.float32)
    u = jnp.dot(x16, wu_ref[0].astype(jnp.bfloat16),
                preferred_element_type=jnp.float32)
    gs = jnp.dot(x16, wsg_ref[:, cols].astype(jnp.bfloat16),
                 preferred_element_type=jnp.float32)
    us = jnp.dot(x16, wsu_ref[:, cols].astype(jnp.bfloat16),
                 preferred_element_type=jnp.float32)

    a1 = s1 * g
    a2 = s2 * g
    h_routed = (s1 * u) * (a1 * jax.nn.sigmoid(a1)) \
             + (s2 * u) * (a2 * jax.nn.sigmoid(a2))
    h_shared = us * (gs * jax.nn.sigmoid(gs))

    partial = (
        jnp.dot(h_routed.astype(jnp.bfloat16), wd_ref[0].astype(jnp.bfloat16),
                preferred_element_type=jnp.float32)
        + jnp.dot(h_shared.astype(jnp.bfloat16),
                  wsd_ref[cols, :].astype(jnp.bfloat16),
                  preferred_element_type=jnp.float32))

    @pl.when(f == 0)
    def _():
        out_ref[...] = partial

    @pl.when(f > 0)
    def _():
        out_ref[...] += partial


def kernel(hidden_states, router_kernel, gate_up_proj, down_proj,
           shared_gate_kernel, shared_up_kernel, shared_down_kernel):
    batch, seq, hid = hidden_states.shape
    flat = hidden_states.reshape(seq, hid)
    router_logits = flat @ router_kernel
    sc_raw = _sc_router(router_logits.T.reshape(-1))
    scores_t = sc_raw.reshape(32, _E, _SEQ // 32).transpose(1, 0, 2) \
                     .reshape(_E, _SEQ)

    wr16 = jnp.pad(router_kernel, ((0, 0), (0, _LANES - _E))
                   ).astype(jnp.bfloat16)

    out = pl.pallas_call(
        _moe_body,
        grid=(_E, _FN),
        in_specs=[
            pl.BlockSpec((_SEQ, _HID), lambda c, f: (0, 0)),
            pl.BlockSpec((_HID, _LANES), lambda c, f: (0, 0)),
            pl.BlockSpec((1, _HID, _FT), lambda c, f: (c, 0, f)),
            pl.BlockSpec((1, _HID, _FT), lambda c, f: (c, 0, f + _FN)),
            pl.BlockSpec((_HID, _FF), lambda c, f: (0, 0)),
            pl.BlockSpec((_HID, _FF), lambda c, f: (0, 0)),
            pl.BlockSpec((1, _FT, _HID), lambda c, f: (c, f, 0)),
            pl.BlockSpec((_FF, _HID), lambda c, f: (0, 0)),
        ],
        out_specs=pl.BlockSpec((_CHUNK, _HID), lambda c, f: (c, 0)),
        out_shape=jax.ShapeDtypeStruct((seq, hid), jnp.float32),
        compiler_params=pltpu.CompilerParams(
            dimension_semantics=("parallel", "arbitrary")),
    )(flat, wr16, gate_up_proj, gate_up_proj,
      shared_gate_kernel, shared_up_kernel, down_proj, shared_down_kernel)

    return out.reshape(batch, seq, hid), scores_t

# --- scband reference (transcript-rebuilt; emitter-appended) ---
"""Pipeline reference for scband-llama4-text-moe-53798760349864 (READ-ONLY COPY).

The authoritative reference and input builder live on the scoring server;
editing this copy changes nothing except your own understanding.
"""

import jax, jax.numpy as jnp
import numpy as np

BATCH, SEQ, HID, FF, E, TOPK = 1, 2048, 1024, 2048, 8, 2
STD = 0.02

def setup_inputs(seed: int = 0) -> dict:
    key = jax.random.key(seed)
    ks = jax.random.split(key, 7)
    hidden_states = jax.random.normal(ks[0], (BATCH, SEQ, HID), dtype=jnp.float32)
    router_kernel = jax.random.normal(ks[1], (HID, E), dtype=jnp.float32) * STD
    gate_up_proj = jax.random.normal(ks[2], (E, HID, 2 * FF), dtype=jnp.float32) * STD
    down_proj = jax.random.normal(ks[3], (E, FF, HID), dtype=jnp.float32) * STD
    shared_gate_kernel = jax.random.normal(ks[4], (HID, FF), dtype=jnp.float32) * STD
    shared_up_kernel = jax.random.normal(ks[5], (HID, FF), dtype=jnp.float32) * STD
    shared_down_kernel = jax.random.normal(ks[6], (FF, HID), dtype=jnp.float32) * STD
    return {
        'hidden_states': hidden_states,
        'router_kernel': router_kernel,
        'gate_up_proj': gate_up_proj,
        'down_proj': down_proj,
        'shared_gate_kernel': shared_gate_kernel,
        'shared_up_kernel': shared_up_kernel,
        'shared_down_kernel': shared_down_kernel,
    }

def _experts(x, gate_up_proj, down_proj, hidden_dim):
    # Llama4TextExperts.__call__: reshape tokens across expert dim, batched matmul
    h = x.reshape(E, -1, hidden_dim)
    gate_up = jnp.einsum('eik,ekj->eij', h, gate_up_proj, optimize=True)
    gate, up = jnp.split(gate_up, 2, axis=-1)
    next_states = jnp.einsum('eik,ekj->eij', up * jax.nn.silu(gate), down_proj, optimize=True)
    return next_states.reshape(-1, hidden_dim)

def reference(hidden_states, router_kernel, gate_up_proj, down_proj,
              shared_gate_kernel, shared_up_kernel, shared_down_kernel):
    batch, seq_len, hidden_dim = hidden_states.shape
    flat = hidden_states.reshape(-1, hidden_dim)
    tokens = flat.shape[0]
    # router
    router_logits = flat @ router_kernel
    router_top_value, router_indices_topk = jax.lax.top_k(router_logits, TOPK)
    scores_base = jnp.full_like(router_logits, -jnp.inf)
    token_idx = jnp.arange(tokens)[:, None]
    scores_scattered = scores_base.at[token_idx, router_indices_topk].set(router_top_value)
    router_scores = jax.nn.sigmoid(scores_scattered.astype(jnp.float32)).astype(hidden_states.dtype)
    # shared expert (SwiGLU MLP)
    gate = jax.nn.silu(flat @ shared_gate_kernel)
    up = flat @ shared_up_kernel
    out = (gate * up) @ shared_down_kernel
    # routed experts: loop over experts, mask tokens by router score
    expert_outputs = jnp.zeros_like(out)
    for e in range(E):
        expert_mask = router_scores[:, e:e + 1]
        expert_inputs = flat * expert_mask
        expert_outputs = expert_outputs + _experts(expert_inputs, gate_up_proj, down_proj, hidden_dim)
    final_output = (out + expert_outputs).reshape(batch, seq_len, hidden_dim)
    return final_output, router_scores.T

if False:  # reference __main__ guard neutralized (emitter)
    inp = setup_inputs()
    o = reference(**inp)
    print(o[0].shape, o[1].shape)

if __name__ == "__main__":
    import jax
    _d = setup_inputs()
    print(jax.jit(kernel)(*tuple(_d.values())))

</pallas_src>

<mosaic_0001>
#map = affine_map<(d0, d1) -> (0)>
#map1 = affine_map<(d0, d1) -> (0, 0)>
module attributes {stable_mosaic.version = 14 : i64} {
  func.func @sc_router(%arg0: i32, %arg1: i32, %arg2: memref<16384xf32, #tpu.memory_space<hbm>>, %arg3: memref<32x512xf32, #tpu.memory_space<hbm>>, %arg4: memref<16384xf32, #tpu.memory_space<vmem>>, %arg5: memref<512xf32, #tpu.memory_space<vmem>>) attributes {dimension_semantics = [#tpu.dimension_semantics<core_parallel>, #tpu.dimension_semantics<subcore_parallel>], iteration_bounds = array<i64: 2, 16>, scalar_prefetch = 0 : i64, scratch_operands = 2 : i64, tpu.core_type = #tpu.core_type<sc_vector_subcore>, window_params = [{transform_indices = #map}, {transform_indices = #map1}]} {
    %mul3A = arith.constant 2 : i32
    %mul3A_0 = arith.muli %arg1, %mul3A : i32
    %add3A = arith.addi %mul3A_0, %arg0 : i32
    %mul3A_1 = arith.constant 64 : i32
    %mul3A_2 = arith.muli %add3A, %mul3A_1 : i32
    "tpu.region"() ({
      %run_scoped3A = tpu.sem_alloc : memref<!tpu.dma_semaphore, #tpu.memory_space<semaphore_mem>>
      tpu.enqueue_dma source(%arg2 : memref<16384xf32, #tpu.memory_space<hbm>>) target(%arg4 : memref<16384xf32, #tpu.memory_space<vmem>>) target_semaphore(%run_scoped3A : memref<!tpu.dma_semaphore, #tpu.memory_space<semaphore_mem>>)
      tpu.wait_dma2 semaphore(%run_scoped3A : memref<!tpu.dma_semaphore, #tpu.memory_space<semaphore_mem>>) src(%arg2 : memref<16384xf32, #tpu.memory_space<hbm>>) dst(%arg4 : memref<16384xf32, #tpu.memory_space<vmem>>)
      tpu.yield
    }) : () -> ()
    %add3A_3 = arith.constant 0 : i32
    %add3A_4 = arith.addi %add3A_3, %mul3A_2 : i32
    %add3A_5 = arith.constant 0 : i32
    %add3A_6 = arith.addi %add3A_4, %add3A_5 : i32
    %get3A = arith.index_cast %add3A_6 : i32 to index
    %get3A_7 = tpu.vector_load %arg4[%get3A] {strides = array<i32>} : memref<16384xf32, #tpu.memory_space<vmem>>, vector<16xf32>,
    %get3A_8 = vector.shape_cast %get3A_7 : vector<16xf32> to vector<16xf32>
    %add3A_9 = arith.constant 2048 : i32
    %add3A_10 = arith.addi %add3A_9, %mul3A_2 : i32
    %add3A_11 = arith.constant 0 : i32
    %add3A_12 = arith.addi %add3A_10, %add3A_11 : i32
    %get3A_13 = arith.index_cast %add3A_12 : i32 to index
    %get3A_14 = tpu.vector_load %arg4[%get3A_13] {strides = array<i32>} : memref<16384xf32, #tpu.memory_space<vmem>>, vector<16xf32>,
    %get3A_15 = vector.shape_cast %get3A_14 : vector<16xf32> to vector<16xf32>
    %add3A_16 = arith.constant 4096 : i32
    %add3A_17 = arith.addi %add3A_16, %mul3A_2 : i32
    %add3A_18 = arith.constant 0 : i32
    %add3A_19 = arith.addi %add3A_17, %add3A_18 : i32
    %get3A_20 = arith.index_cast %add3A_19 : i32 to index
    %get3A_21 = tpu.vector_load %arg4[%get3A_20] {strides = array<i32>} : memref<16384xf32, #tpu.memory_space<vmem>>, vector<16xf32>,
    %get3A_22 = vector.shape_cast %get3A_21 : vector<16xf32> to vector<16xf32>
    %add3A_23 = arith.constant 6144 : i32
    %add3A_24 = arith.addi %add3A_23, %mul3A_2 : i32
    %add3A_25 = arith.constant 0 : i32
    %add3A_26 = arith.addi %add3A_24, %add3A_25 : i32
    %get3A_27 = arith.index_cast %add3A_26 : i32 to index
    %get3A_28 = tpu.vector_load %arg4[%get3A_27] {strides = array<i32>} : memref<16384xf32, #tpu.memory_space<vmem>>, vector<16xf32>,
    %get3A_29 = vector.shape_cast %get3A_28 : vector<16xf32> to vector<16xf32>
    %add3A_30 = arith.constant 8192 : i32
    %add3A_31 = arith.addi %add3A_30, %mul3A_2 : i32
    %add3A_32 = arith.constant 0 : i32
    %add3A_33 = arith.addi %add3A_31, %add3A_32 : i32
    %get3A_34 = arith.index_cast %add3A_33 : i32 to index
    %get3A_35 = tpu.vector_load %arg4[%get3A_34] {strides = array<i32>} : memref<16384xf32, #tpu.memory_space<vmem>>, vector<16xf32>,
    %get3A_36 = vector.shape_cast %get3A_35 : vector<16xf32> to vector<16xf32>
    %add3A_37 = arith.constant 10240 : i32
    %add3A_38 = arith.addi %add3A_37, %mul3A_2 : i32
    %add3A_39 = arith.constant 0 : i32
    %add3A_40 = arith.addi %add3A_38, %add3A_39 : i32
    %get3A_41 = arith.index_cast %add3A_40 : i32 to index
    %get3A_42 = tpu.vector_load %arg4[%get3A_41] {strides = array<i32>} : memref<16384xf32, #tpu.memory_space<vmem>>, vector<16xf32>,
    %get3A_43 = vector.shape_cast %get3A_42 : vector<16xf32> to vector<16xf32>
    %add3A_44 = arith.constant 12288 : i32
    %add3A_45 = arith.addi %add3A_44, %mul3A_2 : i32
    %add3A_46 = arith.constant 0 : i32
    %add3A_47 = arith.addi %add3A_45, %add3A_46 : i32
    %get3A_48 = arith.index_cast %add3A_47 : i32 to index
    %get3A_49 = tpu.vector_load %arg4[%get3A_48] {strides = array<i32>} : memref<16384xf32, #tpu.memory_space<vmem>>, vector<16xf32>,
    %get3A_50 = vector.shape_cast %get3A_49 : vector<16xf32> to vector<16xf32>
    %add3A_51 = arith.constant 14336 : i32
    %add3A_52 = arith.addi %add3A_51, %mul3A_2 : i32
    %add3A_53 = arith.constant 0 : i32
    %add3A_54 = arith.addi %add3A_52, %add3A_53 : i32
    %get3A_55 = arith.index_cast %add3A_54 : i32 to index
    %get3A_56 = tpu.vector_load %arg4[%get3A_55] {strides = array<i32>} : memref<16384xf32, #tpu.memory_space<vmem>>, vector<16xf32>,
    %get3A_57 = vector.shape_cast %get3A_56 : vector<16xf32> to vector<16xf32>
    %max3A = arith.maximumf %get3A_8, %get3A_15 : vector<16xf32>
    %max3A_58 = arith.maximumf %max3A, %get3A_22 : vector<16xf32>
    %max3A_59 = arith.maximumf %max3A_58, %get3A_29 : vector<16xf32>
    %max3A_60 = arith.maximumf %max3A_59, %get3A_36 : vector<16xf32>
    %max3A_61 = arith.maximumf %max3A_60, %get3A_43 : vector<16xf32>
    %max3A_62 = arith.maximumf %max3A_61, %get3A_50 : vector<16xf32>
    %max3A_63 = arith.maximumf %max3A_62, %get3A_57 : vector<16xf32>
    %broadcast_in_dim3A = arith.constant 99 : i32
    %broadcast_in_dim3A_64 = vector.broadcast %broadcast_in_dim3A : i32 to vector<16xi32>
    %eq3A = arith.cmpf oeq, %get3A_8, %max3A_63 : vector<16xf32>
    %jit3A = arith.constant 0 : i32
    %broadcast_in_dim3A_65 = vector.broadcast %jit3A : i32 to vector<16xi32>
    %select_n3A = arith.select %eq3A, %broadcast_in_dim3A_65, %broadcast_in_dim3A_64 : vector<16xi1>, vector<16xi32>
    %min3A = arith.minsi %broadcast_in_dim3A_64, %select_n3A : vector<16xi32>
    %eq3A_66 = arith.cmpf oeq, %get3A_15, %max3A_63 : vector<16xf32>
    %jit3A_67 = arith.constant 1 : i32
    %broadcast_in_dim3A_68 = vector.broadcast %jit3A_67 : i32 to vector<16xi32>
    %select_n3A_69 = arith.select %eq3A_66, %broadcast_in_dim3A_68, %broadcast_in_dim3A_64 : vector<16xi1>, vector<16xi32>
    %min3A_70 = arith.minsi %min3A, %select_n3A_69 : vector<16xi32>
    %eq3A_71 = arith.cmpf oeq, %get3A_22, %max3A_63 : vector<16xf32>
    %jit3A_72 = arith.constant 2 : i32
    %broadcast_in_dim3A_73 = vector.broadcast %jit3A_72 : i32 to vector<16xi32>
    %select_n3A_74 = arith.select %eq3A_71, %broadcast_in_dim3A_73, %broadcast_in_dim3A_64 : vector<16xi1>, vector<16xi32>
    %min3A_75 = arith.minsi %min3A_70, %select_n3A_74 : vector<16xi32>
    %eq3A_76 = arith.cmpf oeq, %get3A_29, %max3A_63 : vector<16xf32>
    %jit3A_77 = arith.constant 3 : i32
    %broadcast_in_dim3A_78 = vector.broadcast %jit3A_77 : i32 to vector<16xi32>
    %select_n3A_79 = arith.select %eq3A_76, %broadcast_in_dim3A_78, %broadcast_in_dim3A_64 : vector<16xi1>, vector<16xi32>
    %min3A_80 = arith.minsi %min3A_75, %select_n3A_79 : vector<16xi32>
    %eq3A_81 = arith.cmpf oeq, %get3A_36, %max3A_63 : vector<16xf32>
    %jit3A_82 = arith.constant 4 : i32
    %broadcast_in_dim3A_83 = vector.broadcast %jit3A_82 : i32 to vector<16xi32>
    %select_n3A_84 = arith.select %eq3A_81, %broadcast_in_dim3A_83, %broadcast_in_dim3A_64 : vector<16xi1>, vector<16xi32>
    %min3A_85 = arith.minsi %min3A_80, %select_n3A_84 : vector<16xi32>
    %eq3A_86 = arith.cmpf oeq, %get3A_43, %max3A_63 : vector<16xf32>
    %jit3A_87 = arith.constant 5 : i32
    %broadcast_in_dim3A_88 = vector.broadcast %jit3A_87 : i32 to vector<16xi32>
    %select_n3A_89 = arith.select %eq3A_86, %broadcast_in_dim3A_88, %broadcast_in_dim3A_64 : vector<16xi1>, vector<16xi32>
    %min3A_90 = arith.minsi %min3A_85, %select_n3A_89 : vector<16xi32>
    %eq3A_91 = arith.cmpf oeq, %get3A_50, %max3A_63 : vector<16xf32>
    %jit3A_92 = arith.constant 6 : i32
    %broadcast_in_dim3A_93 = vector.broadcast %jit3A_92 : i32 to vector<16xi32>
    %select_n3A_94 = arith.select %eq3A_91, %broadcast_in_dim3A_93, %broadcast_in_dim3A_64 : vector<16xi1>, vector<16xi32>
    %min3A_95 = arith.minsi %min3A_90, %select_n3A_94 : vector<16xi32>
    %eq3A_96 = arith.cmpf oeq, %get3A_57, %max3A_63 : vector<16xf32>
    %jit3A_97 = arith.constant 7 : i32
    %broadcast_in_dim3A_98 = vector.broadcast %jit3A_97 : i32 to vector<16xi32>
    %select_n3A_99 = arith.select %eq3A_96, %broadcast_in_dim3A_98, %broadcast_in_dim3A_64 : vector<16xi1>, vector<16xi32>
    %min3A_100 = arith.minsi %min3A_95, %select_n3A_99 : vector<16xi32>
    %broadcast_in_dim3A_101 = arith.constant 0xFF800000 : f32
    %broadcast_in_dim3A_102 = vector.broadcast %broadcast_in_dim3A_101 : f32 to vector<16xf32>
    %eq3A_103 = arith.constant 0 : i32
    %eq3A_104 = vector.broadcast %eq3A_103 : i32 to vector<16xi32>
    %eq3A_105 = arith.cmpi eq, %min3A_100, %eq3A_104 : vector<16xi32>
    %select_n3A_106 = arith.select %eq3A_105, %broadcast_in_dim3A_102, %get3A_8 : vector<16xi1>, vector<16xf32>
    %eq3A_107 = arith.constant 1 : i32
    %eq3A_108 = vector.broadcast %eq3A_107 : i32 to vector<16xi32>
    %eq3A_109 = arith.cmpi eq, %min3A_100, %eq3A_108 : vector<16xi32>
    %select_n3A_110 = arith.select %eq3A_109, %broadcast_in_dim3A_102, %get3A_15 : vector<16xi1>, vector<16xf32>
    %eq3A_111 = arith.constant 2 : i32
    %eq3A_112 = vector.broadcast %eq3A_111 : i32 to vector<16xi32>
    %eq3A_113 = arith.cmpi eq, %min3A_100, %eq3A_112 : vector<16xi32>
    %select_n3A_114 = arith.select %eq3A_113, %broadcast_in_dim3A_102, %get3A_22 : vector<16xi1>, vector<16xf32>
    %eq3A_115 = arith.constant 3 : i32
    %eq3A_116 = vector.broadcast %eq3A_115 : i32 to vector<16xi32>
    %eq3A_117 = arith.cmpi eq, %min3A_100, %eq3A_116 : vector<16xi32>
    %select_n3A_118 = arith.select %eq3A_117, %broadcast_in_dim3A_102, %get3A_29 : vector<16xi1>, vector<16xf32>
    %eq3A_119 = arith.constant 4 : i32
    %eq3A_120 = vector.broadcast %eq3A_119 : i32 to vector<16xi32>
    %eq3A_121 = arith.cmpi eq, %min3A_100, %eq3A_120 : vector<16xi32>
    %select_n3A_122 = arith.select %eq3A_121, %broadcast_in_dim3A_102, %get3A_36 : vector<16xi1>, vector<16xf32>
    %eq3A_123 = arith.constant 5 : i32
    %eq3A_124 = vector.broadcast %eq3A_123 : i32 to vector<16xi32>
    %eq3A_125 = arith.cmpi eq, %min3A_100, %eq3A_124 : vector<16xi32>
    %select_n3A_126 = arith.select %eq3A_125, %broadcast_in_dim3A_102, %get3A_43 : vector<16xi1>, vector<16xf32>
    %eq3A_127 = arith.constant 6 : i32
    %eq3A_128 = vector.broadcast %eq3A_127 : i32 to vector<16xi32>
    %eq3A_129 = arith.cmpi eq, %min3A_100, %eq3A_128 : vector<16xi32>
    %select_n3A_130 = arith.select %eq3A_129, %broadcast_in_dim3A_102, %get3A_50 : vector<16xi1>, vector<16xf32>
    %eq3A_131 = arith.constant 7 : i32
    %eq3A_132 = vector.broadcast %eq3A_131 : i32 to vector<16xi32>
    %eq3A_133 = arith.cmpi eq, %min3A_100, %eq3A_132 : vector<16xi32>
    %select_n3A_134 = arith.select %eq3A_133, %broadcast_in_dim3A_102, %get3A_57 : vector<16xi1>, vector<16xf32>
    %max3A_135 = arith.maximumf %select_n3A_106, %select_n3A_110 : vector<16xf32>
    %max3A_136 = arith.maximumf %max3A_135, %select_n3A_114 : vector<16xf32>
    %max3A_137 = arith.maximumf %max3A_136, %select_n3A_118 : vector<16xf32>
    %max3A_138 = arith.maximumf %max3A_137, %select_n3A_122 : vector<16xf32>
    %max3A_139 = arith.maximumf %max3A_138, %select_n3A_126 : vector<16xf32>
    %max3A_140 = arith.maximumf %max3A_139, %select_n3A_130 : vector<16xf32>
    %max3A_141 = arith.maximumf %max3A_140, %select_n3A_134 : vector<16xf32>
    %eq3A_142 = arith.cmpf oeq, %select_n3A_106, %max3A_141 : vector<16xf32>
    %jit3A_143 = arith.constant 0 : i32
    %broadcast_in_dim3A_144 = vector.broadcast %jit3A_143 : i32 to vector<16xi32>
    %select_n3A_145 = arith.select %eq3A_142, %broadcast_in_dim3A_144, %broadcast_in_dim3A_64 : vector<16xi1>, vector<16xi32>
    %min3A_146 = arith.minsi %broadcast_in_dim3A_64, %select_n3A_145 : vector<16xi32>
    %eq3A_147 = arith.cmpf oeq, %select_n3A_110, %max3A_141 : vector<16xf32>
    %jit3A_148 = arith.constant 1 : i32
    %broadcast_in_dim3A_149 = vector.broadcast %jit3A_148 : i32 to vector<16xi32>
    %select_n3A_150 = arith.select %eq3A_147, %broadcast_in_dim3A_149, %broadcast_in_dim3A_64 : vector<16xi1>, vector<16xi32>
    %min3A_151 = arith.minsi %min3A_146, %select_n3A_150 : vector<16xi32>
    %eq3A_152 = arith.cmpf oeq, %select_n3A_114, %max3A_141 : vector<16xf32>
    %jit3A_153 = arith.constant 2 : i32
    %broadcast_in_dim3A_154 = vector.broadcast %jit3A_153 : i32 to vector<16xi32>
    %select_n3A_155 = arith.select %eq3A_152, %broadcast_in_dim3A_154, %broadcast_in_dim3A_64 : vector<16xi1>, vector<16xi32>
    %min3A_156 = arith.minsi %min3A_151, %select_n3A_155 : vector<16xi32>
    %eq3A_157 = arith.cmpf oeq, %select_n3A_118, %max3A_141 : vector<16xf32>
    %jit3A_158 = arith.constant 3 : i32
    %broadcast_in_dim3A_159 = vector.broadcast %jit3A_158 : i32 to vector<16xi32>
    %select_n3A_160 = arith.select %eq3A_157, %broadcast_in_dim3A_159, %broadcast_in_dim3A_64 : vector<16xi1>, vector<16xi32>
    %min3A_161 = arith.minsi %min3A_156, %select_n3A_160 : vector<16xi32>
    %eq3A_162 = arith.cmpf oeq, %select_n3A_122, %max3A_141 : vector<16xf32>
    %jit3A_163 = arith.constant 4 : i32
    %broadcast_in_dim3A_164 = vector.broadcast %jit3A_163 : i32 to vector<16xi32>
    %select_n3A_165 = arith.select %eq3A_162, %broadcast_in_dim3A_164, %broadcast_in_dim3A_64 : vector<16xi1>, vector<16xi32>
    %min3A_166 = arith.minsi %min3A_161, %select_n3A_165 : vector<16xi32>
    %eq3A_167 = arith.cmpf oeq, %select_n3A_126, %max3A_141 : vector<16xf32>
    %jit3A_168 = arith.constant 5 : i32
    %broadcast_in_dim3A_169 = vector.broadcast %jit3A_168 : i32 to vector<16xi32>
    %select_n3A_170 = arith.select %eq3A_167, %broadcast_in_dim3A_169, %broadcast_in_dim3A_64 : vector<16xi1>, vector<16xi32>
    %min3A_171 = arith.minsi %min3A_166, %select_n3A_170 : vector<16xi32>
    %eq3A_172 = arith.cmpf oeq, %select_n3A_130, %max3A_141 : vector<16xf32>
    %jit3A_173 = arith.constant 6 : i32
    %broadcast_in_dim3A_174 = vector.broadcast %jit3A_173 : i32 to vector<16xi32>
    %select_n3A_175 = arith.select %eq3A_172, %broadcast_in_dim3A_174, %broadcast_in_dim3A_64 : vector<16xi1>, vector<16xi32>
    %min3A_176 = arith.minsi %min3A_171, %select_n3A_175 : vector<16xi32>
    %eq3A_177 = arith.cmpf oeq, %select_n3A_134, %max3A_141 : vector<16xf32>
    %jit3A_178 = arith.constant 7 : i32
    %broadcast_in_dim3A_179 = vector.broadcast %jit3A_178 : i32 to vector<16xi32>
    %select_n3A_180 = arith.select %eq3A_177, %broadcast_in_dim3A_179, %broadcast_in_dim3A_64 : vector<16xi1>, vector<16xi32>
    %min3A_181 = arith.minsi %min3A_176, %select_n3A_180 : vector<16xi32>
    %neg3A = arith.constant 0.000000e+00 : f32
    %neg3A_182 = vector.broadcast %neg3A : f32 to vector<16xf32>
    %neg3A_183 = arith.subf %neg3A_182, %get3A_8 : vector<16xf32>
    %exp3A = math.exp %neg3A_183 : vector<16xf32>
    %add3A_184 = arith.constant 1.000000e+00 : f32
    %add3A_185 = vector.broadcast %add3A_184 : f32 to vector<16xf32>
    %add3A_186 = arith.addf %add3A_185, %exp3A : vector<16xf32>
    %div3A = arith.constant 1.000000e+00 : f32
    %div3A_187 = vector.broadcast %div3A : f32 to vector<16xf32>
    %div3A_188 = arith.divf %div3A_187, %add3A_186 : vector<16xf32>
    %eq3A_189 = arith.constant 0 : i32
    %eq3A_190 = vector.broadcast %eq3A_189 : i32 to vector<16xi32>
    %eq3A_191 = arith.cmpi eq, %min3A_100, %eq3A_190 : vector<16xi32>
    %eq3A_192 = arith.constant 0 : i32
    %eq3A_193 = vector.broadcast %eq3A_192 : i32 to vector<16xi32>
    %eq3A_194 = arith.cmpi eq, %min3A_181, %eq3A_193 : vector<16xi32>
    %or3A = arith.ori %eq3A_191, %eq3A_194 : vector<16xi1>
    %jit3A_195 = arith.constant 0.000000e+00 : f32
    %broadcast_in_dim3A_196 = vector.broadcast %jit3A_195 : f32 to vector<16xf32>
    %select_n3A_197 = arith.select %or3A, %div3A_188, %broadcast_in_dim3A_196 : vector<16xi1>, vector<16xf32>
    %swap3A = arith.constant 0 : index
    %swap3A_198 = tpu.vector_load %arg5[%swap3A] {strides = array<i32>} : memref<512xf32, #tpu.memory_space<vmem>>, vector<16xf32>,
    %swap3A_199 = vector.shape_cast %swap3A_198 : vector<16xf32> to vector<16xf32>
    %swap3A_200 = vector.shape_cast %select_n3A_197 : vector<16xf32> to vector<16xf32>
    tpu.vector_store %arg5[%swap3A], %swap3A_200 {strides = array<i32>} : memref<512xf32, #tpu.memory_space<vmem>>, vector<16xf32>,
    %neg3A_201 = arith.constant 0.000000e+00 : f32
    %neg3A_202 = vector.broadcast %neg3A_201 : f32 to vector<16xf32>
    %neg3A_203 = arith.subf %neg3A_202, %get3A_15 : vector<16xf32>
    %exp3A_204 = math.exp %neg3A_203 : vector<16xf32>
    %add3A_205 = arith.constant 1.000000e+00 : f32
    %add3A_206 = vector.broadcast %add3A_205 : f32 to vector<16xf32>
    %add3A_207 = arith.addf %add3A_206, %exp3A_204 : vector<16xf32>
    %div3A_208 = arith.constant 1.000000e+00 : f32
    %div3A_209 = vector.broadcast %div3A_208 : f32 to vector<16xf32>
    %div3A_210 = arith.divf %div3A_209, %add3A_207 : vector<16xf32>
    %eq3A_211 = arith.constant 1 : i32
    %eq3A_212 = vector.broadcast %eq3A_211 : i32 to vector<16xi32>
    %eq3A_213 = arith.cmpi eq, %min3A_100, %eq3A_212 : vector<16xi32>
    %eq3A_214 = arith.constant 1 : i32
    %eq3A_215 = vector.broadcast %eq3A_214 : i32 to vector<16xi32>
    %eq3A_216 = arith.cmpi eq, %min3A_181, %eq3A_215 : vector<16xi32>
    %or3A_217 = arith.ori %eq3A_213, %eq3A_216 : vector<16xi1>
    %jit3A_218 = arith.constant 0.000000e+00 : f32
    %broadcast_in_dim3A_219 = vector.broadcast %jit3A_218 : f32 to vector<16xf32>
    %select_n3A_220 = arith.select %or3A_217, %div3A_210, %broadcast_in_dim3A_219 : vector<16xi1>, vector<16xf32>
    %swap3A_221 = arith.constant 64 : index
    %swap3A_222 = tpu.vector_load %arg5[%swap3A_221] {strides = array<i32>} : memref<512xf32, #tpu.memory_space<vmem>>, vector<16xf32>,
    %swap3A_223 = vector.shape_cast %swap3A_222 : vector<16xf32> to vector<16xf32>
    %swap3A_224 = vector.shape_cast %select_n3A_220 : vector<16xf32> to vector<16xf32>
    tpu.vector_store %arg5[%swap3A_221], %swap3A_224 {strides = array<i32>} : memref<512xf32, #tpu.memory_space<vmem>>, vector<16xf32>,
    %neg3A_225 = arith.constant 0.000000e+00 : f32
    %neg3A_226 = vector.broadcast %neg3A_225 : f32 to vector<16xf32>
    %neg3A_227 = arith.subf %neg3A_226, %get3A_22 : vector<16xf32>
    %exp3A_228 = math.exp %neg3A_227 : vector<16xf32>
    %add3A_229 = arith.constant 1.000000e+00 : f32
    %add3A_230 = vector.broadcast %add3A_229 : f32 to vector<16xf32>
    %add3A_231 = arith.addf %add3A_230, %exp3A_228 : vector<16xf32>
    %div3A_232 = arith.constant 1.000000e+00 : f32
    %div3A_233 = vector.broadcast %div3A_232 : f32 to vector<16xf32>
    %div3A_234 = arith.divf %div3A_233, %add3A_231 : vector<16xf32>
    %eq3A_235 = arith.constant 2 : i32
    %eq3A_236 = vector.broadcast %eq3A_235 : i32 to vector<16xi32>
    %eq3A_237 = arith.cmpi eq, %min3A_100, %eq3A_236 : vector<16xi32>
    %eq3A_238 = arith.constant 2 : i32
    %eq3A_239 = vector.broadcast %eq3A_238 : i32 to vector<16xi32>
    %eq3A_240 = arith.cmpi eq, %min3A_181, %eq3A_239 : vector<16xi32>
    %or3A_241 = arith.ori %eq3A_237, %eq3A_240 : vector<16xi1>
    %jit3A_242 = arith.constant 0.000000e+00 : f32
    %broadcast_in_dim3A_243 = vector.broadcast %jit3A_242 : f32 to vector<16xf32>
    %select_n3A_244 = arith.select %or3A_241, %div3A_234, %broadcast_in_dim3A_243 : vector<16xi1>, vector<16xf32>
    %swap3A_245 = arith.constant 128 : index
    %swap3A_246 = tpu.vector_load %arg5[%swap3A_245] {strides = array<i32>} : memref<512xf32, #tpu.memory_space<vmem>>, vector<16xf32>,
    %swap3A_247 = vector.shape_cast %swap3A_246 : vector<16xf32> to vector<16xf32>
    %swap3A_248 = vector.shape_cast %select_n3A_244 : vector<16xf32> to vector<16xf32>
    tpu.vector_store %arg5[%swap3A_245], %swap3A_248 {strides = array<i32>} : memref<512xf32, #tpu.memory_space<vmem>>, vector<16xf32>,
    %neg3A_249 = arith.constant 0.000000e+00 : f32
    %neg3A_250 = vector.broadcast %neg3A_249 : f32 to vector<16xf32>
    %neg3A_251 = arith.subf %neg3A_250, %get3A_29 : vector<16xf32>
    %exp3A_252 = math.exp %neg3A_251 : vector<16xf32>
    %add3A_253 = arith.constant 1.000000e+00 : f32
    %add3A_254 = vector.broadcast %add3A_253 : f32 to vector<16xf32>
    %add3A_255 = arith.addf %add3A_254, %exp3A_252 : vector<16xf32>
    %div3A_256 = arith.constant 1.000000e+00 : f32
    %div3A_257 = vector.broadcast %div3A_256 : f32 to vector<16xf32>
    %div3A_258 = arith.divf %div3A_257, %add3A_255 : vector<16xf32>
    %eq3A_259 = arith.constant 3 : i32
    %eq3A_260 = vector.broadcast %eq3A_259 : i32 to vector<16xi32>
    %eq3A_261 = arith.cmpi eq, %min3A_100, %eq3A_260 : vector<16xi32>
    %eq3A_262 = arith.constant 3 : i32
    %eq3A_263 = vector.broadcast %eq3A_262 : i32 to vector<16xi32>
    %eq3A_264 = arith.cmpi eq, %min3A_181, %eq3A_263 : vector<16xi32>
    %or3A_265 = arith.ori %eq3A_261, %eq3A_264 : vector<16xi1>
    %jit3A_266 = arith.constant 0.000000e+00 : f32
    %broadcast_in_dim3A_267 = vector.broadcast %jit3A_266 : f32 to vector<16xf32>
    %select_n3A_268 = arith.select %or3A_265, %div3A_258, %broadcast_in_dim3A_267 : vector<16xi1>, vector<16xf32>
    %swap3A_269 = arith.constant 192 : index
    %swap3A_270 = tpu.vector_load %arg5[%swap3A_269] {strides = array<i32>} : memref<512xf32, #tpu.memory_space<vmem>>, vector<16xf32>,
    %swap3A_271 = vector.shape_cast %swap3A_270 : vector<16xf32> to vector<16xf32>
    %swap3A_272 = vector.shape_cast %select_n3A_268 : vector<16xf32> to vector<16xf32>
    tpu.vector_store %arg5[%swap3A_269], %swap3A_272 {strides = array<i32>} : memref<512xf32, #tpu.memory_space<vmem>>, vector<16xf32>,
    %neg3A_273 = arith.constant 0.000000e+00 : f32
    %neg3A_274 = vector.broadcast %neg3A_273 : f32 to vector<16xf32>
    %neg3A_275 = arith.subf %neg3A_274, %get3A_36 : vector<16xf32>
    %exp3A_276 = math.exp %neg3A_275 : vector<16xf32>
    %add3A_277 = arith.constant 1.000000e+00 : f32
    %add3A_278 = vector.broadcast %add3A_277 : f32 to vector<16xf32>
    %add3A_279 = arith.addf %add3A_278, %exp3A_276 : vector<16xf32>
    %div3A_280 = arith.constant 1.000000e+00 : f32
    %div3A_281 = vector.broadcast %div3A_280 : f32 to vector<16xf32>
    %div3A_282 = arith.divf %div3A_281, %add3A_279 : vector<16xf32>
    %eq3A_283 = arith.constant 4 : i32
    %eq3A_284 = vector.broadcast %eq3A_283 : i32 to vector<16xi32>
    %eq3A_285 = arith.cmpi eq, %min3A_100, %eq3A_284 : vector<16xi32>
    %eq3A_286 = arith.constant 4 : i32
    %eq3A_287 = vector.broadcast %eq3A_286 : i32 to vector<16xi32>
    %eq3A_288 = arith.cmpi eq, %min3A_181, %eq3A_287 : vector<16xi32>
    %or3A_289 = arith.ori %eq3A_285, %eq3A_288 : vector<16xi1>
    %jit3A_290 = arith.constant 0.000000e+00 : f32
    %broadcast_in_dim3A_291 = vector.broadcast %jit3A_290 : f32 to vector<16xf32>
    %select_n3A_292 = arith.select %or3A_289, %div3A_282, %broadcast_in_dim3A_291 : vector<16xi1>, vector<16xf32>
    %swap3A_293 = arith.constant 256 : index
    %swap3A_294 = tpu.vector_load %arg5[%swap3A_293] {strides = array<i32>} : memref<512xf32, #tpu.memory_space<vmem>>, vector<16xf32>,
    %swap3A_295 = vector.shape_cast %swap3A_294 : vector<16xf32> to vector<16xf32>
    %swap3A_296 = vector.shape_cast %select_n3A_292 : vector<16xf32> to vector<16xf32>
    tpu.vector_store %arg5[%swap3A_293], %swap3A_296 {strides = array<i32>} : memref<512xf32, #tpu.memory_space<vmem>>, vector<16xf32>,
    %neg3A_297 = arith.constant 0.000000e+00 : f32
    %neg3A_298 = vector.broadcast %neg3A_297 : f32 to vector<16xf32>
    %neg3A_299 = arith.subf %neg3A_298, %get3A_43 : vector<16xf32>
    %exp3A_300 = math.exp %neg3A_299 : vector<16xf32>
    %add3A_301 = arith.constant 1.000000e+00 : f32
    %add3A_302 = vector.broadcast %add3A_301 : f32 to vector<16xf32>
    %add3A_303 = arith.addf %add3A_302, %exp3A_300 : vector<16xf32>
    %div3A_304 = arith.constant 1.000000e+00 : f32
    %div3A_305 = vector.broadcast %div3A_304 : f32 to vector<16xf32>
    %div3A_306 = arith.divf %div3A_305, %add3A_303 : vector<16xf32>
    %eq3A_307 = arith.constant 5 : i32
    %eq3A_308 = vector.broadcast %eq3A_307 : i32 to vector<16xi32>
    %eq3A_309 = arith.cmpi eq, %min3A_100, %eq3A_308 : vector<16xi32>
    %eq3A_310 = arith.constant 5 : i32
    %eq3A_311 = vector.broadcast %eq3A_310 : i32 to vector<16xi32>
    %eq3A_312 = arith.cmpi eq, %min3A_181, %eq3A_311 : vector<16xi32>
    %or3A_313 = arith.ori %eq3A_309, %eq3A_312 : vector<16xi1>
    %jit3A_314 = arith.constant 0.000000e+00 : f32
    %broadcast_in_dim3A_315 = vector.broadcast %jit3A_314 : f32 to vector<16xf32>
    %select_n3A_316 = arith.select %or3A_313, %div3A_306, %broadcast_in_dim3A_315 : vector<16xi1>, vector<16xf32>
    %swap3A_317 = arith.constant 320 : index
    %swap3A_318 = tpu.vector_load %arg5[%swap3A_317] {strides = array<i32>} : memref<512xf32, #tpu.memory_space<vmem>>, vector<16xf32>,
    %swap3A_319 = vector.shape_cast %swap3A_318 : vector<16xf32> to vector<16xf32>
    %swap3A_320 = vector.shape_cast %select_n3A_316 : vector<16xf32> to vector<16xf32>
    tpu.vector_store %arg5[%swap3A_317], %swap3A_320 {strides = array<i32>} : memref<512xf32, #tpu.memory_space<vmem>>, vector<16xf32>,
    %neg3A_321 = arith.constant 0.000000e+00 : f32
    %neg3A_322 = vector.broadcast %neg3A_321 : f32 to vector<16xf32>
    %neg3A_323 = arith.subf %neg3A_322, %get3A_50 : vector<16xf32>
    %exp3A_324 = math.exp %neg3A_323 : vector<16xf32>
    %add3A_325 = arith.constant 1.000000e+00 : f32
    %add3A_326 = vector.broadcast %add3A_325 : f32 to vector<16xf32>
    %add3A_327 = arith.addf %add3A_326, %exp3A_324 : vector<16xf32>
    %div3A_328 = arith.constant 1.000000e+00 : f32
    %div3A_329 = vector.broadcast %div3A_328 : f32 to vector<16xf32>
    %div3A_330 = arith.divf %div3A_329, %add3A_327 : vector<16xf32>
    %eq3A_331 = arith.constant 6 : i32
    %eq3A_332 = vector.broadcast %eq3A_331 : i32 to vector<16xi32>
    %eq3A_333 = arith.cmpi eq, %min3A_100, %eq3A_332 : vector<16xi32>
    %eq3A_334 = arith.constant 6 : i32
    %eq3A_335 = vector.broadcast %eq3A_334 : i32 to vector<16xi32>
    %eq3A_336 = arith.cmpi eq, %min3A_181, %eq3A_335 : vector<16xi32>
    %or3A_337 = arith.ori %eq3A_333, %eq3A_336 : vector<16xi1>
    %jit3A_338 = arith.constant 0.000000e+00 : f32
    %broadcast_in_dim3A_339 = vector.broadcast %jit3A_338 : f32 to vector<16xf32>
    %select_n3A_340 = arith.select %or3A_337, %div3A_330, %broadcast_in_dim3A_339 : vector<16xi1>, vector<16xf32>
    %swap3A_341 = arith.constant 384 : index
    %swap3A_342 = tpu.vector_load %arg5[%swap3A_341] {strides = array<i32>} : memref<512xf32, #tpu.memory_space<vmem>>, vector<16xf32>,
    %swap3A_343 = vector.shape_cast %swap3A_342 : vector<16xf32> to vector<16xf32>
    %swap3A_344 = vector.shape_cast %select_n3A_340 : vector<16xf32> to vector<16xf32>
    tpu.vector_store %arg5[%swap3A_341], %swap3A_344 {strides = array<i32>} : memref<512xf32, #tpu.memory_space<vmem>>, vector<16xf32>,
    %neg3A_345 = arith.constant 0.000000e+00 : f32
    %neg3A_346 = vector.broadcast %neg3A_345 : f32 to vector<16xf32>
    %neg3A_347 = arith.subf %neg3A_346, %get3A_57 : vector<16xf32>
    %exp3A_348 = math.exp %neg3A_347 : vector<16xf32>
    %add3A_349 = arith.constant 1.000000e+00 : f32
    %add3A_350 = vector.broadcast %add3A_349 : f32 to vector<16xf32>
    %add3A_351 = arith.addf %add3A_350, %exp3A_348 : vector<16xf32>
    %div3A_352 = arith.constant 1.000000e+00 : f32
    %div3A_353 = vector.broadcast %div3A_352 : f32 to vector<16xf32>
    %div3A_354 = arith.divf %div3A_353, %add3A_351 : vector<16xf32>
    %eq3A_355 = arith.constant 7 : i32
    %eq3A_356 = vector.broadcast %eq3A_355 : i32 to vector<16xi32>
    %eq3A_357 = arith.cmpi eq, %min3A_100, %eq3A_356 : vector<16xi32>
    %eq3A_358 = arith.constant 7 : i32
    %eq3A_359 = vector.broadcast %eq3A_358 : i32 to vector<16xi32>
    %eq3A_360 = arith.cmpi eq, %min3A_181, %eq3A_359 : vector<16xi32>
    %or3A_361 = arith.ori %eq3A_357, %eq3A_360 : vector<16xi1>
    %jit3A_362 = arith.constant 0.000000e+00 : f32
    %broadcast_in_dim3A_363 = vector.broadcast %jit3A_362 : f32 to vector<16xf32>
    %select_n3A_364 = arith.select %or3A_361, %div3A_354, %broadcast_in_dim3A_363 : vector<16xi1>, vector<16xf32>
    %swap3A_365 = arith.constant 448 : index
    %swap3A_366 = tpu.vector_load %arg5[%swap3A_365] {strides = array<i32>} : memref<512xf32, #tpu.memory_space<vmem>>, vector<16xf32>,
    %swap3A_367 = vector.shape_cast %swap3A_366 : vector<16xf32> to vector<16xf32>
    %swap3A_368 = vector.shape_cast %select_n3A_364 : vector<16xf32> to vector<16xf32>
    tpu.vector_store %arg5[%swap3A_365], %swap3A_368 {strides = array<i32>} : memref<512xf32, #tpu.memory_space<vmem>>, vector<16xf32>,
    %add3A_369 = arith.constant 0 : i32
    %add3A_370 = arith.addi %add3A_369, %mul3A_2 : i32
    %add3A_371 = arith.constant 16 : i32
    %add3A_372 = arith.addi %add3A_370, %add3A_371 : i32
    %get3A_373 = arith.index_cast %add3A_372 : i32 to index
    %get3A_374 = tpu.vector_load %arg4[%get3A_373] {strides = array<i32>} : memref<16384xf32, #tpu.memory_space<vmem>>, vector<16xf32>,
    %get3A_375 = vector.shape_cast %get3A_374 : vector<16xf32> to vector<16xf32>
    %add3A_376 = arith.constant 2048 : i32
    %add3A_377 = arith.addi %add3A_376, %mul3A_2 : i32
    %add3A_378 = arith.constant 16 : i32
    %add3A_379 = arith.addi %add3A_377, %add3A_378 : i32
    %get3A_380 = arith.index_cast %add3A_379 : i32 to index
    %get3A_381 = tpu.vector_load %arg4[%get3A_380] {strides = array<i32>} : memref<16384xf32, #tpu.memory_space<vmem>>, vector<16xf32>,
    %get3A_382 = vector.shape_cast %get3A_381 : vector<16xf32> to vector<16xf32>
    %add3A_383 = arith.constant 4096 : i32
    %add3A_384 = arith.addi %add3A_383, %mul3A_2 : i32
    %add3A_385 = arith.constant 16 : i32
    %add3A_386 = arith.addi %add3A_384, %add3A_385 : i32
    %get3A_387 = arith.index_cast %add3A_386 : i32 to index
    %get3A_388 = tpu.vector_load %arg4[%get3A_387] {strides = array<i32>} : memref<16384xf32, #tpu.memory_space<vmem>>, vector<16xf32>,
    %get3A_389 = vector.shape_cast %get3A_388 : vector<16xf32> to vector<16xf32>
    %add3A_390 = arith.constant 6144 : i32
    %add3A_391 = arith.addi %add3A_390, %mul3A_2 : i32
    %add3A_392 = arith.constant 16 : i32
    %add3A_393 = arith.addi %add3A_391, %add3A_392 : i32
    %get3A_394 = arith.index_cast %add3A_393 : i32 to index
    %get3A_395 = tpu.vector_load %arg4[%get3A_394] {strides = array<i32>} : memref<16384xf32, #tpu.memory_space<vmem>>, vector<16xf32>,
    %get3A_396 = vector.shape_cast %get3A_395 : vector<16xf32> to vector<16xf32>
    %add3A_397 = arith.constant 8192 : i32
    %add3A_398 = arith.addi %add3A_397, %mul3A_2 : i32
    %add3A_399 = arith.constant 16 : i32
    %add3A_400 = arith.addi %add3A_398, %add3A_399 : i32
    %get3A_401 = arith.index_cast %add3A_400 : i32 to index
    %get3A_402 = tpu.vector_load %arg4[%get3A_401] {strides = array<i32>} : memref<16384xf32, #tpu.memory_space<vmem>>, vector<16xf32>,
    %get3A_403 = vector.shape_cast %get3A_402 : vector<16xf32> to vector<16xf32>
    %add3A_404 = arith.constant 10240 : i32
    %add3A_405 = arith.addi %add3A_404, %mul3A_2 : i32
    %add3A_406 = arith.constant 16 : i32
    %add3A_407 = arith.addi %add3A_405, %add3A_406 : i32
    %get3A_408 = arith.index_cast %add3A_407 : i32 to index
    %get3A_409 = tpu.vector_load %arg4[%get3A_408] {strides = array<i32>} : memref<16384xf32, #tpu.memory_space<vmem>>, vector<16xf32>,
    %get3A_410 = vector.shape_cast %get3A_409 : vector<16xf32> to vector<16xf32>
    %add3A_411 = arith.constant 12288 : i32
    %add3A_412 = arith.addi %add3A_411, %mul3A_2 : i32
    %add3A_413 = arith.constant 16 : i32
    %add3A_414 = arith.addi %add3A_412, %add3A_413 : i32
    %get3A_415 = arith.index_cast %add3A_414 : i32 to index
    %get3A_416 = tpu.vector_load %arg4[%get3A_415] {strides = array<i32>} : memref<16384xf32, #tpu.memory_space<vmem>>, vector<16xf32>,
    %get3A_417 = vector.shape_cast %get3A_416 : vector<16xf32> to vector<16xf32>
    %add3A_418 = arith.constant 14336 : i32
    %add3A_419 = arith.addi %add3A_418, %mul3A_2 : i32
    %add3A_420 = arith.constant 16 : i32
    %add3A_421 = arith.addi %add3A_419, %add3A_420 : i32
    %get3A_422 = arith.index_cast %add3A_421 : i32 to index
    %get3A_423 = tpu.vector_load %arg4[%get3A_422] {strides = array<i32>} : memref<16384xf32, #tpu.memory_space<vmem>>, vector<16xf32>,
    %get3A_424 = vector.shape_cast %get3A_423 : vector<16xf32> to vector<16xf32>
    %max3A_425 = arith.maximumf %get3A_375, %get3A_382 : vector<16xf32>
    %max3A_426 = arith.maximumf %max3A_425, %get3A_389 : vector<16xf32>
    %max3A_427 = arith.maximumf %max3A_426, %get3A_396 : vector<16xf32>
    %max3A_428 = arith.maximumf %max3A_427, %get3A_403 : vector<16xf32>
    %max3A_429 = arith.maximumf %max3A_428, %get3A_410 : vector<16xf32>
    %max3A_430 = arith.maximumf %max3A_429, %get3A_417 : vector<16xf32>
    %max3A_431 = arith.maximumf %max3A_430, %get3A_424 : vector<16xf32>
    %broadcast_in_dim3A_432 = arith.constant 99 : i32
    %broadcast_in_dim3A_433 = vector.broadcast %broadcast_in_dim3A_432 : i32 to vector<16xi32>
    %eq3A_434 = arith.cmpf oeq, %get3A_375, %max3A_431 : vector<16xf32>
    %jit3A_435 = arith.constant 0 : i32
    %broadcast_in_dim3A_436 = vector.broadcast %jit3A_435 : i32 to vector<16xi32>
    %select_n3A_437 = arith.select %eq3A_434, %broadcast_in_dim3A_436, %broadcast_in_dim3A_433 : vector<16xi1>, vector<16xi32>
    %min3A_438 = arith.minsi %broadcast_in_dim3A_433, %select_n3A_437 : vector<16xi32>
    %eq3A_439 = arith.cmpf oeq, %get3A_382, %max3A_431 : vector<16xf32>
    %jit3A_440 = arith.constant 1 : i32
    %broadcast_in_dim3A_441 = vector.broadcast %jit3A_440 : i32 to vector<16xi32>
    %select_n3A_442 = arith.select %eq3A_439, %broadcast_in_dim3A_441, %broadcast_in_dim3A_433 : vector<16xi1>, vector<16xi32>
    %min3A_443 = arith.minsi %min3A_438, %select_n3A_442 : vector<16xi32>
    %eq3A_444 = arith.cmpf oeq, %get3A_389, %max3A_431 : vector<16xf32>
    %jit3A_445 = arith.constant 2 : i32
    %broadcast_in_dim3A_446 = vector.broadcast %jit3A_445 : i32 to vector<16xi32>
    %select_n3A_447 = arith.select %eq3A_444, %broadcast_in_dim3A_446, %broadcast_in_dim3A_433 : vector<16xi1>, vector<16xi32>
    %min3A_448 = arith.minsi %min3A_443, %select_n3A_447 : vector<16xi32>
    %eq3A_449 = arith.cmpf oeq, %get3A_396, %max3A_431 : vector<16xf32>
    %jit3A_450 = arith.constant 3 : i32
    %broadcast_in_dim3A_451 = vector.broadcast %jit3A_450 : i32 to vector<16xi32>
    %select_n3A_452 = arith.select %eq3A_449, %broadcast_in_dim3A_451, %broadcast_in_dim3A_433 : vector<16xi1>, vector<16xi32>
    %min3A_453 = arith.minsi %min3A_448, %select_n3A_452 : vector<16xi32>
    %eq3A_454 = arith.cmpf oeq, %get3A_403, %max3A_431 : vector<16xf32>
    %jit3A_455 = arith.constant 4 : i32
    %broadcast_in_dim3A_456 = vector.broadcast %jit3A_455 : i32 to vector<16xi32>
    %select_n3A_457 = arith.select %eq3A_454, %broadcast_in_dim3A_456, %broadcast_in_dim3A_433 : vector<16xi1>, vector<16xi32>
    %min3A_458 = arith.minsi %min3A_453, %select_n3A_457 : vector<16xi32>
    %eq3A_459 = arith.cmpf oeq, %get3A_410, %max3A_431 : vector<16xf32>
    %jit3A_460 = arith.constant 5 : i32
    %broadcast_in_dim3A_461 = vector.broadcast %jit3A_460 : i32 to vector<16xi32>
    %select_n3A_462 = arith.select %eq3A_459, %broadcast_in_dim3A_461, %broadcast_in_dim3A_433 : vector<16xi1>, vector<16xi32>
    %min3A_463 = arith.minsi %min3A_458, %select_n3A_462 : vector<16xi32>
    %eq3A_464 = arith.cmpf oeq, %get3A_417, %max3A_431 : vector<16xf32>
    %jit3A_465 = arith.constant 6 : i32
    %broadcast_in_dim3A_466 = vector.broadcast %jit3A_465 : i32 to vector<16xi32>
    %select_n3A_467 = arith.select %eq3A_464, %broadcast_in_dim3A_466, %broadcast_in_dim3A_433 : vector<16xi1>, vector<16xi32>
    %min3A_468 = arith.minsi %min3A_463, %select_n3A_467 : vector<16xi32>
    %eq3A_469 = arith.cmpf oeq, %get3A_424, %max3A_431 : vector<16xf32>
    %jit3A_470 = arith.constant 7 : i32
    %broadcast_in_dim3A_471 = vector.broadcast %jit3A_470 : i32 to vector<16xi32>
    %select_n3A_472 = arith.select %eq3A_469, %broadcast_in_dim3A_471, %broadcast_in_dim3A_433 : vector<16xi1>, vector<16xi32>
    %min3A_473 = arith.minsi %min3A_468, %select_n3A_472 : vector<16xi32>
    %broadcast_in_dim3A_474 = arith.constant 0xFF800000 : f32
    %broadcast_in_dim3A_475 = vector.broadcast %broadcast_in_dim3A_474 : f32 to vector<16xf32>
    %eq3A_476 = arith.constant 0 : i32
    %eq3A_477 = vector.broadcast %eq3A_476 : i32 to vector<16xi32>
    %eq3A_478 = arith.cmpi eq, %min3A_473, %eq3A_477 : vector<16xi32>
    %select_n3A_479 = arith.select %eq3A_478, %broadcast_in_dim3A_475, %get3A_375 : vector<16xi1>, vector<16xf32>
    %eq3A_480 = arith.constant 1 : i32
    %eq3A_481 = vector.broadcast %eq3A_480 : i32 to vector<16xi32>
    %eq3A_482 = arith.cmpi eq, %min3A_473, %eq3A_481 : vector<16xi32>
    %select_n3A_483 = arith.select %eq3A_482, %broadcast_in_dim3A_475, %get3A_382 : vector<16xi1>, vector<16xf32>
    %eq3A_484 = arith.constant 2 : i32
    %eq3A_485 = vector.broadcast %eq3A_484 : i32 to vector<16xi32>
    %eq3A_486 = arith.cmpi eq, %min3A_473, %eq3A_485 : vector<16xi32>
    %select_n3A_487 = arith.select %eq3A_486, %broadcast_in_dim3A_475, %get3A_389 : vector<16xi1>, vector<16xf32>
    %eq3A_488 = arith.constant 3 : i32
    %eq3A_489 = vector.broadcast %eq3A_488 : i32 to vector<16xi32>
    %eq3A_490 = arith.cmpi eq, %min3A_473, %eq3A_489 : vector<16xi32>
    %select_n3A_491 = arith.select %eq3A_490, %broadcast_in_dim3A_475, %get3A_396 : vector<16xi1>, vector<16xf32>
    %eq3A_492 = arith.constant 4 : i32
    %eq3A_493 = vector.broadcast %eq3A_492 : i32 to vector<16xi32>
    %eq3A_494 = arith.cmpi eq, %min3A_473, %eq3A_493 : vector<16xi32>
    %select_n3A_495 = arith.select %eq3A_494, %broadcast_in_dim3A_475, %get3A_403 : vector<16xi1>, vector<16xf32>
    %eq3A_496 = arith.constant 5 : i32
    %eq3A_497 = vector.broadcast %eq3A_496 : i32 to vector<16xi32>
    %eq3A_498 = arith.cmpi eq, %min3A_473, %eq3A_497 : vector<16xi32>
    %select_n3A_499 = arith.select %eq3A_498, %broadcast_in_dim3A_475, %get3A_410 : vector<16xi1>, vector<16xf32>
    %eq3A_500 = arith.constant 6 : i32
    %eq3A_501 = vector.broadcast %eq3A_500 : i32 to vector<16xi32>
    %eq3A_502 = arith.cmpi eq, %min3A_473, %eq3A_501 : vector<16xi32>
    %select_n3A_503 = arith.select %eq3A_502, %broadcast_in_dim3A_475, %get3A_417 : vector<16xi1>, vector<16xf32>
    %eq3A_504 = arith.constant 7 : i32
    %eq3A_505 = vector.broadcast %eq3A_504 : i32 to vector<16xi32>
    %eq3A_506 = arith.cmpi eq, %min3A_473, %eq3A_505 : vector<16xi32>
    %select_n3A_507 = arith.select %eq3A_506, %broadcast_in_dim3A_475, %get3A_424 : vector<16xi1>, vector<16xf32>
    %max3A_508 = arith.maximumf %select_n3A_479, %select_n3A_483 : vector<16xf32>
    %max3A_509 = arith.maximumf %max3A_508, %select_n3A_487 : vector<16xf32>
    %max3A_510 = arith.maximumf %max3A_509, %select_n3A_491 : vector<16xf32>
    %max3A_511 = arith.maximumf %max3A_510, %select_n3A_495 : vector<16xf32>
    %max3A_512 = arith.maximumf %max3A_511, %select_n3A_499 : vector<16xf32>
    %max3A_513 = arith.maximumf %max3A_512, %select_n3A_503 : vector<16xf32>
    %max3A_514 = arith.maximumf %max3A_513, %select_n3A_507 : vector<16xf32>
    %eq3A_515 = arith.cmpf oeq, %select_n3A_479, %max3A_514 : vector<16xf32>
    %jit3A_516 = arith.constant 0 : i32
    %broadcast_in_dim3A_517 = vector.broadcast %jit3A_516 : i32 to vector<16xi32>
    %select_n3A_518 = arith.select %eq3A_515, %broadcast_in_dim3A_517, %broadcast_in_dim3A_433 : vector<16xi1>, vector<16xi32>
    %min3A_519 = arith.minsi %broadcast_in_dim3A_433, %select_n3A_518 : vector<16xi32>
    %eq3A_520 = arith.cmpf oeq, %select_n3A_483, %max3A_514 : vector<16xf32>
    %jit3A_521 = arith.constant 1 : i32
    %broadcast_in_dim3A_522 = vector.broadcast %jit3A_521 : i32 to vector<16xi32>
    %select_n3A_523 = arith.select %eq3A_520, %broadcast_in_dim3A_522, %broadcast_in_dim3A_433 : vector<16xi1>, vector<16xi32>
    %min3A_524 = arith.minsi %min3A_519, %select_n3A_523 : vector<16xi32>
    %eq3A_525 = arith.cmpf oeq, %select_n3A_487, %max3A_514 : vector<16xf32>
    %jit3A_526 = arith.constant 2 : i32
    %broadcast_in_dim3A_527 = vector.broadcast %jit3A_526 : i32 to vector<16xi32>
    %select_n3A_528 = arith.select %eq3A_525, %broadcast_in_dim3A_527, %broadcast_in_dim3A_433 : vector<16xi1>, vector<16xi32>
    %min3A_529 = arith.minsi %min3A_524, %select_n3A_528 : vector<16xi32>
    %eq3A_530 = arith.cmpf oeq, %select_n3A_491, %max3A_514 : vector<16xf32>
    %jit3A_531 = arith.constant 3 : i32
    %broadcast_in_dim3A_532 = vector.broadcast %jit3A_531 : i32 to vector<16xi32>
    %select_n3A_533 = arith.select %eq3A_530, %broadcast_in_dim3A_532, %broadcast_in_dim3A_433 : vector<16xi1>, vector<16xi32>
    %min3A_534 = arith.minsi %min3A_529, %select_n3A_533 : vector<16xi32>
    %eq3A_535 = arith.cmpf oeq, %select_n3A_495, %max3A_514 : vector<16xf32>
    %jit3A_536 = arith.constant 4 : i32
    %broadcast_in_dim3A_537 = vector.broadcast %jit3A_536 : i32 to vector<16xi32>
    %select_n3A_538 = arith.select %eq3A_535, %broadcast_in_dim3A_537, %broadcast_in_dim3A_433 : vector<16xi1>, vector<16xi32>
    %min3A_539 = arith.minsi %min3A_534, %select_n3A_538 : vector<16xi32>
    %eq3A_540 = arith.cmpf oeq, %select_n3A_499, %max3A_514 : vector<16xf32>
    %jit3A_541 = arith.constant 5 : i32
    %broadcast_in_dim3A_542 = vector.broadcast %jit3A_541 : i32 to vector<16xi32>
    %select_n3A_543 = arith.select %eq3A_540, %broadcast_in_dim3A_542, %broadcast_in_dim3A_433 : vector<16xi1>, vector<16xi32>
    %min3A_544 = arith.minsi %min3A_539, %select_n3A_543 : vector<16xi32>
    %eq3A_545 = arith.cmpf oeq, %select_n3A_503, %max3A_514 : vector<16xf32>
    %jit3A_546 = arith.constant 6 : i32
    %broadcast_in_dim3A_547 = vector.broadcast %jit3A_546 : i32 to vector<16xi32>
    %select_n3A_548 = arith.select %eq3A_545, %broadcast_in_dim3A_547, %broadcast_in_dim3A_433 : vector<16xi1>, vector<16xi32>
    %min3A_549 = arith.minsi %min3A_544, %select_n3A_548 : vector<16xi32>
    %eq3A_550 = arith.cmpf oeq, %select_n3A_507, %max3A_514 : vector<16xf32>
    %jit3A_551 = arith.constant 7 : i32
    %broadcast_in_dim3A_552 = vector.broadcast %jit3A_551 : i32 to vector<16xi32>
    %select_n3A_553 = arith.select %eq3A_550, %broadcast_in_dim3A_552, %broadcast_in_dim3A_433 : vector<16xi1>, vector<16xi32>
    %min3A_554 = arith.minsi %min3A_549, %select_n3A_553 : vector<16xi32>
    %neg3A_555 = arith.constant 0.000000e+00 : f32
    %neg3A_556 = vector.broadcast %neg3A_555 : f32 to vector<16xf32>
    %neg3A_557 = arith.subf %neg3A_556, %get3A_375 : vector<16xf32>
    %exp3A_558 = math.exp %neg3A_557 : vector<16xf32>
    %add3A_559 = arith.constant 1.000000e+00 : f32
    %add3A_560 = vector.broadcast %add3A_559 : f32 to vector<16xf32>
    %add3A_561 = arith.addf %add3A_560, %exp3A_558 : vector<16xf32>
    %div3A_562 = arith.constant 1.000000e+00 : f32
    %div3A_563 = vector.broadcast %div3A_562 : f32 to vector<16xf32>
    %div3A_564 = arith.divf %div3A_563, %add3A_561 : vector<16xf32>
    %eq3A_565 = arith.constant 0 : i32
    %eq3A_566 = vector.broadcast %eq3A_565 : i32 to vector<16xi32>
    %eq3A_567 = arith.cmpi eq, %min3A_473, %eq3A_566 : vector<16xi32>
    %eq3A_568 = arith.constant 0 : i32
    %eq3A_569 = vector.broadcast %eq3A_568 : i32 to vector<16xi32>
    %eq3A_570 = arith.cmpi eq, %min3A_554, %eq3A_569 : vector<16xi32>
    %or3A_571 = arith.ori %eq3A_567, %eq3A_570 : vector<16xi1>
    %jit3A_572 = arith.constant 0.000000e+00 : f32
    %broadcast_in_dim3A_573 = vector.broadcast %jit3A_572 : f32 to vector<16xf32>
    %select_n3A_574 = arith.select %or3A_571, %div3A_564, %broadcast_in_dim3A_573 : vector<16xi1>, vector<16xf32>
    %swap3A_575 = arith.constant 16 : index
    %swap3A_576 = tpu.vector_load %arg5[%swap3A_575] {strides = array<i32>} : memref<512xf32, #tpu.memory_space<vmem>>, vector<16xf32>,
    %swap3A_577 = vector.shape_cast %swap3A_576 : vector<16xf32> to vector<16xf32>
    %swap3A_578 = vector.shape_cast %select_n3A_574 : vector<16xf32> to vector<16xf32>
    tpu.vector_store %arg5[%swap3A_575], %swap3A_578 {strides = array<i32>} : memref<512xf32, #tpu.memory_space<vmem>>, vector<16xf32>,
    %neg3A_579 = arith.constant 0.000000e+00 : f32
    %neg3A_580 = vector.broadcast %neg3A_579 : f32 to vector<16xf32>
    %neg3A_581 = arith.subf %neg3A_580, %get3A_382 : vector<16xf32>
    %exp3A_582 = math.exp %neg3A_581 : vector<16xf32>
    %add3A_583 = arith.constant 1.000000e+00 : f32
    %add3A_584 = vector.broadcast %add3A_583 : f32 to vector<16xf32>
    %add3A_585 = arith.addf %add3A_584, %exp3A_582 : vector<16xf32>
    %div3A_586 = arith.constant 1.000000e+00 : f32
    %div3A_587 = vector.broadcast %div3A_586 : f32 to vector<16xf32>
    %div3A_588 = arith.divf %div3A_587, %add3A_585 : vector<16xf32>
    %eq3A_589 = arith.constant 1 : i32
    %eq3A_590 = vector.broadcast %eq3A_589 : i32 to vector<16xi32>
    %eq3A_591 = arith.cmpi eq, %min3A_473, %eq3A_590 : vector<16xi32>
    %eq3A_592 = arith.constant 1 : i32
    %eq3A_593 = vector.broadcast %eq3A_592 : i32 to vector<16xi32>
    %eq3A_594 = arith.cmpi eq, %min3A_554, %eq3A_593 : vector<16xi32>
    %or3A_595 = arith.ori %eq3A_591, %eq3A_594 : vector<16xi1>
    %jit3A_596 = arith.constant 0.000000e+00 : f32
    %broadcast_in_dim3A_597 = vector.broadcast %jit3A_596 : f32 to vector<16xf32>
    %select_n3A_598 = arith.select %or3A_595, %div3A_588, %broadcast_in_dim3A_597 : vector<16xi1>, vector<16xf32>
    %swap3A_599 = arith.constant 80 : index
    %swap3A_600 = tpu.vector_load %arg5[%swap3A_599] {strides = array<i32>} : memref<512xf32, #tpu.memory_space<vmem>>, vector<16xf32>,
    %swap3A_601 = vector.shape_cast %swap3A_600 : vector<16xf32> to vector<16xf32>
    %swap3A_602 = vector.shape_cast %select_n3A_598 : vector<16xf32> to vector<16xf32>
    tpu.vector_store %arg5[%swap3A_599], %swap3A_602 {strides = array<i32>} : memref<512xf32, #tpu.memory_space<vmem>>, vector<16xf32>,
    %neg3A_603 = arith.constant 0.000000e+00 : f32
    %neg3A_604 = vector.broadcast %neg3A_603 : f32 to vector<16xf32>
    %neg3A_605 = arith.subf %neg3A_604, %get3A_389 : vector<16xf32>
    %exp3A_606 = math.exp %neg3A_605 : vector<16xf32>
    %add3A_607 = arith.constant 1.000000e+00 : f32
    %add3A_608 = vector.broadcast %add3A_607 : f32 to vector<16xf32>
    %add3A_609 = arith.addf %add3A_608, %exp3A_606 : vector<16xf32>
    %div3A_610 = arith.constant 1.000000e+00 : f32
    %div3A_611 = vector.broadcast %div3A_610 : f32 to vector<16xf32>
    %div3A_612 = arith.divf %div3A_611, %add3A_609 : vector<16xf32>
    %eq3A_613 = arith.constant 2 : i32
    %eq3A_614 = vector.broadcast %eq3A_613 : i32 to vector<16xi32>
    %eq3A_615 = arith.cmpi eq, %min3A_473, %eq3A_614 : vector<16xi32>
    %eq3A_616 = arith.constant 2 : i32
    %eq3A_617 = vector.broadcast %eq3A_616 : i32 to vector<16xi32>
    %eq3A_618 = arith.cmpi eq, %min3A_554, %eq3A_617 : vector<16xi32>
    %or3A_619 = arith.ori %eq3A_615, %eq3A_618 : vector<16xi1>
    %jit3A_620 = arith.constant 0.000000e+00 : f32
    %broadcast_in_dim3A_621 = vector.broadcast %jit3A_620 : f32 to vector<16xf32>
    %select_n3A_622 = arith.select %or3A_619, %div3A_612, %broadcast_in_dim3A_621 : vector<16xi1>, vector<16xf32>
    %swap3A_623 = arith.constant 144 : index
    %swap3A_624 = tpu.vector_load %arg5[%swap3A_623] {strides = array<i32>} : memref<512xf32, #tpu.memory_space<vmem>>, vector<16xf32>,
    %swap3A_625 = vector.shape_cast %swap3A_624 : vector<16xf32> to vector<16xf32>
    %swap3A_626 = vector.shape_cast %select_n3A_622 : vector<16xf32> to vector<16xf32>
    tpu.vector_store %arg5[%swap3A_623], %swap3A_626 {strides = array<i32>} : memref<512xf32, #tpu.memory_space<vmem>>, vector<16xf32>,
    %neg3A_627 = arith.constant 0.000000e+00 : f32
    %neg3A_628 = vector.broadcast %neg3A_627 : f32 to vector<16xf32>
    %neg3A_629 = arith.subf %neg3A_628, %get3A_396 : vector<16xf32>
    %exp3A_630 = math.exp %neg3A_629 : vector<16xf32>
    %add3A_631 = arith.constant 1.000000e+00 : f32
    %add3A_632 = vector.broadcast %add3A_631 : f32 to vector<16xf32>
    %add3A_633 = arith.addf %add3A_632, %exp3A_630 : vector<16xf32>
    %div3A_634 = arith.constant 1.000000e+00 : f32
    %div3A_635 = vector.broadcast %div3A_634 : f32 to vector<16xf32>
    %div3A_636 = arith.divf %div3A_635, %add3A_633 : vector<16xf32>
    %eq3A_637 = arith.constant 3 : i32
    %eq3A_638 = vector.broadcast %eq3A_637 : i32 to vector<16xi32>
    %eq3A_639 = arith.cmpi eq, %min3A_473, %eq3A_638 : vector<16xi32>
    %eq3A_640 = arith.constant 3 : i32
    %eq3A_641 = vector.broadcast %eq3A_640 : i32 to vector<16xi32>
    %eq3A_642 = arith.cmpi eq, %min3A_554, %eq3A_641 : vector<16xi32>
    %or3A_643 = arith.ori %eq3A_639, %eq3A_642 : vector<16xi1>
    %jit3A_644 = arith.constant 0.000000e+00 : f32
    %broadcast_in_dim3A_645 = vector.broadcast %jit3A_644 : f32 to vector<16xf32>
    %select_n3A_646 = arith.select %or3A_643, %div3A_636, %broadcast_in_dim3A_645 : vector<16xi1>, vector<16xf32>
    %swap3A_647 = arith.constant 208 : index
    %swap3A_648 = tpu.vector_load %arg5[%swap3A_647] {strides = array<i32>} : memref<512xf32, #tpu.memory_space<vmem>>, vector<16xf32>,
    %swap3A_649 = vector.shape_cast %swap3A_648 : vector<16xf32> to vector<16xf32>
    %swap3A_650 = vector.shape_cast %select_n3A_646 : vector<16xf32> to vector<16xf32>
    tpu.vector_store %arg5[%swap3A_647], %swap3A_650 {strides = array<i32>} : memref<512xf32, #tpu.memory_space<vmem>>, vector<16xf32>,
    %neg3A_651 = arith.constant 0.000000e+00 : f32
    %neg3A_652 = vector.broadcast %neg3A_651 : f32 to vector<16xf32>
    %neg3A_653 = arith.subf %neg3A_652, %get3A_403 : vector<16xf32>
    %exp3A_654 = math.exp %neg3A_653 : vector<16xf32>
    %add3A_655 = arith.constant 1.000000e+00 : f32
    %add3A_656 = vector.broadcast %add3A_655 : f32 to vector<16xf32>
    %add3A_657 = arith.addf %add3A_656, %exp3A_654 : vector<16xf32>
    %div3A_658 = arith.constant 1.000000e+00 : f32
    %div3A_659 = vector.broadcast %div3A_658 : f32 to vector<16xf32>
    %div3A_660 = arith.divf %div3A_659, %add3A_657 : vector<16xf32>
    %eq3A_661 = arith.constant 4 : i32
    %eq3A_662 = vector.broadcast %eq3A_661 : i32 to vector<16xi32>
    %eq3A_663 = arith.cmpi eq, %min3A_473, %eq3A_662 : vector<16xi32>
    %eq3A_664 = arith.constant 4 : i32
    %eq3A_665 = vector.broadcast %eq3A_664 : i32 to vector<16xi32>
    %eq3A_666 = arith.cmpi eq, %min3A_554, %eq3A_665 : vector<16xi32>
    %or3A_667 = arith.ori %eq3A_663, %eq3A_666 : vector<16xi1>
    %jit3A_668 = arith.constant 0.000000e+00 : f32
    %broadcast_in_dim3A_669 = vector.broadcast %jit3A_668 : f32 to vector<16xf32>
    %select_n3A_670 = arith.select %or3A_667, %div3A_660, %broadcast_in_dim3A_669 : vector<16xi1>, vector<16xf32>
    %swap3A_671 = arith.constant 272 : index
    %swap3A_672 = tpu.vector_load %arg5[%swap3A_671] {strides = array<i32>} : memref<512xf32, #tpu.memory_space<vmem>>, vector<16xf32>,
    %swap3A_673 = vector.shape_cast %swap3A_672 : vector<16xf32> to vector<16xf32>
    %swap3A_674 = vector.shape_cast %select_n3A_670 : vector<16xf32> to vector<16xf32>
    tpu.vector_store %arg5[%swap3A_671], %swap3A_674 {strides = array<i32>} : memref<512xf32, #tpu.memory_space<vmem>>, vector<16xf32>,
    %neg3A_675 = arith.constant 0.000000e+00 : f32
    %neg3A_676 = vector.broadcast %neg3A_675 : f32 to vector<16xf32>
    %neg3A_677 = arith.subf %neg3A_676, %get3A_410 : vector<16xf32>
    %exp3A_678 = math.exp %neg3A_677 : vector<16xf32>
    %add3A_679 = arith.constant 1.000000e+00 : f32
    %add3A_680 = vector.broadcast %add3A_679 : f32 to vector<16xf32>
    %add3A_681 = arith.addf %add3A_680, %exp3A_678 : vector<16xf32>
    %div3A_682 = arith.constant 1.000000e+00 : f32
    %div3A_683 = vector.broadcast %div3A_682 : f32 to vector<16xf32>
    %div3A_684 = arith.divf %div3A_683, %add3A_681 : vector<16xf32>
    %eq3A_685 = arith.constant 5 : i32
    %eq3A_686 = vector.broadcast %eq3A_685 : i32 to vector<16xi32>
    %eq3A_687 = arith.cmpi eq, %min3A_473, %eq3A_686 : vector<16xi32>
    %eq3A_688 = arith.constant 5 : i32
    %eq3A_689 = vector.broadcast %eq3A_688 : i32 to vector<16xi32>
    %eq3A_690 = arith.cmpi eq, %min3A_554, %eq3A_689 : vector<16xi32>
    %or3A_691 = arith.ori %eq3A_687, %eq3A_690 : vector<16xi1>
    %jit3A_692 = arith.constant 0.000000e+00 : f32
    %broadcast_in_dim3A_693 = vector.broadcast %jit3A_692 : f32 to vector<16xf32>
    %select_n3A_694 = arith.select %or3A_691, %div3A_684, %broadcast_in_dim3A_693 : vector<16xi1>, vector<16xf32>
    %swap3A_695 = arith.constant 336 : index
    %swap3A_696 = tpu.vector_load %arg5[%swap3A_695] {strides = array<i32>} : memref<512xf32, #tpu.memory_space<vmem>>, vector<16xf32>,
    %swap3A_697 = vector.shape_cast %swap3A_696 : vector<16xf32> to vector<16xf32>
    %swap3A_698 = vector.shape_cast %select_n3A_694 : vector<16xf32> to vector<16xf32>
    tpu.vector_store %arg5[%swap3A_695], %swap3A_698 {strides = array<i32>} : memref<512xf32, #tpu.memory_space<vmem>>, vector<16xf32>,
    %neg3A_699 = arith.constant 0.000000e+00 : f32
    %neg3A_700 = vector.broadcast %neg3A_699 : f32 to vector<16xf32>
    %neg3A_701 = arith.subf %neg3A_700, %get3A_417 : vector<16xf32>
    %exp3A_702 = math.exp %neg3A_701 : vector<16xf32>
    %add3A_703 = arith.constant 1.000000e+00 : f32
    %add3A_704 = vector.broadcast %add3A_703 : f32 to vector<16xf32>
    %add3A_705 = arith.addf %add3A_704, %exp3A_702 : vector<16xf32>
    %div3A_706 = arith.constant 1.000000e+00 : f32
    %div3A_707 = vector.broadcast %div3A_706 : f32 to vector<16xf32>
    %div3A_708 = arith.divf %div3A_707, %add3A_705 : vector<16xf32>
    %eq3A_709 = arith.constant 6 : i32
    %eq3A_710 = vector.broadcast %eq3A_709 : i32 to vector<16xi32>
    %eq3A_711 = arith.cmpi eq, %min3A_473, %eq3A_710 : vector<16xi32>
    %eq3A_712 = arith.constant 6 : i32
    %eq3A_713 = vector.broadcast %eq3A_712 : i32 to vector<16xi32>
    %eq3A_714 = arith.cmpi eq, %min3A_554, %eq3A_713 : vector<16xi32>
    %or3A_715 = arith.ori %eq3A_711, %eq3A_714 : vector<16xi1>
    %jit3A_716 = arith.constant 0.000000e+00 : f32
    %broadcast_in_dim3A_717 = vector.broadcast %jit3A_716 : f32 to vector<16xf32>
    %select_n3A_718 = arith.select %or3A_715, %div3A_708, %broadcast_in_dim3A_717 : vector<16xi1>, vector<16xf32>
    %swap3A_719 = arith.constant 400 : index
    %swap3A_720 = tpu.vector_load %arg5[%swap3A_719] {strides = array<i32>} : memref<512xf32, #tpu.memory_space<vmem>>, vector<16xf32>,
    %swap3A_721 = vector.shape_cast %swap3A_720 : vector<16xf32> to vector<16xf32>
    %swap3A_722 = vector.shape_cast %select_n3A_718 : vector<16xf32> to vector<16xf32>
    tpu.vector_store %arg5[%swap3A_719], %swap3A_722 {strides = array<i32>} : memref<512xf32, #tpu.memory_space<vmem>>, vector<16xf32>,
    %neg3A_723 = arith.constant 0.000000e+00 : f32
    %neg3A_724 = vector.broadcast %neg3A_723 : f32 to vector<16xf32>
    %neg3A_725 = arith.subf %neg3A_724, %get3A_424 : vector<16xf32>
    %exp3A_726 = math.exp %neg3A_725 : vector<16xf32>
    %add3A_727 = arith.constant 1.000000e+00 : f32
    %add3A_728 = vector.broadcast %add3A_727 : f32 to vector<16xf32>
    %add3A_729 = arith.addf %add3A_728, %exp3A_726 : vector<16xf32>
    %div3A_730 = arith.constant 1.000000e+00 : f32
    %div3A_731 = vector.broadcast %div3A_730 : f32 to vector<16xf32>
    %div3A_732 = arith.divf %div3A_731, %add3A_729 : vector<16xf32>
    %eq3A_733 = arith.constant 7 : i32
    %eq3A_734 = vector.broadcast %eq3A_733 : i32 to vector<16xi32>
    %eq3A_735 = arith.cmpi eq, %min3A_473, %eq3A_734 : vector<16xi32>
    %eq3A_736 = arith.constant 7 : i32
    %eq3A_737 = vector.broadcast %eq3A_736 : i32 to vector<16xi32>
    %eq3A_738 = arith.cmpi eq, %min3A_554, %eq3A_737 : vector<16xi32>
    %or3A_739 = arith.ori %eq3A_735, %eq3A_738 : vector<16xi1>
    %jit3A_740 = arith.constant 0.000000e+00 : f32
    %broadcast_in_dim3A_741 = vector.broadcast %jit3A_740 : f32 to vector<16xf32>
    %select_n3A_742 = arith.select %or3A_739, %div3A_732, %broadcast_in_dim3A_741 : vector<16xi1>, vector<16xf32>
    %swap3A_743 = arith.constant 464 : index
    %swap3A_744 = tpu.vector_load %arg5[%swap3A_743] {strides = array<i32>} : memref<512xf32, #tpu.memory_space<vmem>>, vector<16xf32>,
    %swap3A_745 = vector.shape_cast %swap3A_744 : vector<16xf32> to vector<16xf32>
    %swap3A_746 = vector.shape_cast %select_n3A_742 : vector<16xf32> to vector<16xf32>
    tpu.vector_store %arg5[%swap3A_743], %swap3A_746 {strides = array<i32>} : memref<512xf32, #tpu.memory_space<vmem>>, vector<16xf32>,
    %add3A_747 = arith.constant 0 : i32
    %add3A_748 = arith.addi %add3A_747, %mul3A_2 : i32
    %add3A_749 = arith.constant 32 : i32
    %add3A_750 = arith.addi %add3A_748, %add3A_749 : i32
    %get3A_751 = arith.index_cast %add3A_750 : i32 to index
    %get3A_752 = tpu.vector_load %arg4[%get3A_751] {strides = array<i32>} : memref<16384xf32, #tpu.memory_space<vmem>>, vector<16xf32>,
    %get3A_753 = vector.shape_cast %get3A_752 : vector<16xf32> to vector<16xf32>
    %add3A_754 = arith.constant 2048 : i32
    %add3A_755 = arith.addi %add3A_754, %mul3A_2 : i32
    %add3A_756 = arith.constant 32 : i32
    %add3A_757 = arith.addi %add3A_755, %add3A_756 : i32
    %get3A_758 = arith.index_cast %add3A_757 : i32 to index
    %get3A_759 = tpu.vector_load %arg4[%get3A_758] {strides = array<i32>} : memref<16384xf32, #tpu.memory_space<vmem>>, vector<16xf32>,
    %get3A_760 = vector.shape_cast %get3A_759 : vector<16xf32> to vector<16xf32>
    %add3A_761 = arith.constant 4096 : i32
    %add3A_762 = arith.addi %add3A_761, %mul3A_2 : i32
    %add3A_763 = arith.constant 32 : i32
    %add3A_764 = arith.addi %add3A_762, %add3A_763 : i32
    %get3A_765 = arith.index_cast %add3A_764 : i32 to index
    %get3A_766 = tpu.vector_load %arg4[%get3A_765] {strides = array<i32>} : memref<16384xf32, #tpu.memory_space<vmem>>, vector<16xf32>,
    %get3A_767 = vector.shape_cast %get3A_766 : vector<16xf32> to vector<16xf32>
    %add3A_768 = arith.constant 6144 : i32
    %add3A_769 = arith.addi %add3A_768, %mul3A_2 : i32
    %add3A_770 = arith.constant 32 : i32
    %add3A_771 = arith.addi %add3A_769, %add3A_770 : i32
    %get3A_772 = arith.index_cast %add3A_771 : i32 to index
    %get3A_773 = tpu.vector_load %arg4[%get3A_772] {strides = array<i32>} : memref<16384xf32, #tpu.memory_space<vmem>>, vector<16xf32>,
    %get3A_774 = vector.shape_cast %get3A_773 : vector<16xf32> to vector<16xf32>
    %add3A_775 = arith.constant 8192 : i32
    %add3A_776 = arith.addi %add3A_775, %mul3A_2 : i32
    %add3A_777 = arith.constant 32 : i32
    %add3A_778 = arith.addi %add3A_776, %add3A_777 : i32
    %get3A_779 = arith.index_cast %add3A_778 : i32 to index
    %get3A_780 = tpu.vector_load %arg4[%get3A_779] {strides = array<i32>} : memref<16384xf32, #tpu.memory_space<vmem>>, vector<16xf32>,
    %get3A_781 = vector.shape_cast %get3A_780 : vector<16xf32> to vector<16xf32>
    %add3A_782 = arith.constant 10240 : i32
    %add3A_783 = arith.addi %add3A_782, %mul3A_2 : i32
    %add3A_784 = arith.constant 32 : i32
    %add3A_785 = arith.addi %add3A_783, %add3A_784 : i32
    %get3A_786 = arith.index_cast %add3A_785 : i32 to index
    %get3A_787 = tpu.vector_load %arg4[%get3A_786] {strides = array<i32>} : memref<16384xf32, #tpu.memory_space<vmem>>, vector<16xf32>,
    %get3A_788 = vector.shape_cast %get3A_787 : vector<16xf32> to vector<16xf32>
    %add3A_789 = arith.constant 12288 : i32
    %add3A_790 = arith.addi %add3A_789, %mul3A_2 : i32
    %add3A_791 = arith.constant 32 : i32
    %add3A_792 = arith.addi %add3A_790, %add3A_791 : i32
    %get3A_793 = arith.index_cast %add3A_792 : i32 to index
    %get3A_794 = tpu.vector_load %arg4[%get3A_793] {strides = array<i32>} : memref<16384xf32, #tpu.memory_space<vmem>>, vector<16xf32>,
    %get3A_795 = vector.shape_cast %get3A_794 : vector<16xf32> to vector<16xf32>
    %add3A_796 = arith.constant 14336 : i32
    %add3A_797 = arith.addi %add3A_796, %mul3A_2 : i32
    %add3A_798 = arith.constant 32 : i32
    %add3A_799 = arith.addi %add3A_797, %add3A_798 : i32
    %get3A_800 = arith.index_cast %add3A_799 : i32 to index
    %get3A_801 = tpu.vector_load %arg4[%get3A_800] {strides = array<i32>} : memref<16384xf32, #tpu.memory_space<vmem>>, vector<16xf32>,
    %get3A_802 = vector.shape_cast %get3A_801 : vector<16xf32> to vector<16xf32>
    %max3A_803 = arith.maximumf %get3A_753, %get3A_760 : vector<16xf32>
    %max3A_804 = arith.maximumf %max3A_803, %get3A_767 : vector<16xf32>
    %max3A_805 = arith.maximumf %max3A_804, %get3A_774 : vector<16xf32>
    %max3A_806 = arith.maximumf %max3A_805, %get3A_781 : vector<16xf32>
    %max3A_807 = arith.maximumf %max3A_806, %get3A_788 : vector<16xf32>
    %max3A_808 = arith.maximumf %max3A_807, %get3A_795 : vector<16xf32>
    %max3A_809 = arith.maximumf %max3A_808, %get3A_802 : vector<16xf32>
    %broadcast_in_dim3A_810 = arith.constant 99 : i32
    %broadcast_in_dim3A_811 = vector.broadcast %broadcast_in_dim3A_810 : i32 to vector<16xi32>
    %eq3A_812 = arith.cmpf oeq, %get3A_753, %max3A_809 : vector<16xf32>
    %jit3A_813 = arith.constant 0 : i32
    %broadcast_in_dim3A_814 = vector.broadcast %jit3A_813 : i32 to vector<16xi32>
    %select_n3A_815 = arith.select %eq3A_812, %broadcast_in_dim3A_814, %broadcast_in_dim3A_811 : vector<16xi1>, vector<16xi32>
    %min3A_816 = arith.minsi %broadcast_in_dim3A_811, %select_n3A_815 : vector<16xi32>
    %eq3A_817 = arith.cmpf oeq, %get3A_760, %max3A_809 : vector<16xf32>
    %jit3A_818 = arith.constant 1 : i32
    %broadcast_in_dim3A_819 = vector.broadcast %jit3A_818 : i32 to vector<16xi32>
    %select_n3A_820 = arith.select %eq3A_817, %broadcast_in_dim3A_819, %broadcast_in_dim3A_811 : vector<16xi1>, vector<16xi32>
    %min3A_821 = arith.minsi %min3A_816, %select_n3A_820 : vector<16xi32>
    %eq3A_822 = arith.cmpf oeq, %get3A_767, %max3A_809 : vector<16xf32>
    %jit3A_823 = arith.constant 2 : i32
    %broadcast_in_dim3A_824 = vector.broadcast %jit3A_823 : i32 to vector<16xi32>
    %select_n3A_825 = arith.select %eq3A_822, %broadcast_in_dim3A_824, %broadcast_in_dim3A_811 : vector<16xi1>, vector<16xi32>
    %min3A_826 = arith.minsi %min3A_821, %select_n3A_825 : vector<16xi32>
    %eq3A_827 = arith.cmpf oeq, %get3A_774, %max3A_809 : vector<16xf32>
    %jit3A_828 = arith.constant 3 : i32
    %broadcast_in_dim3A_829 = vector.broadcast %jit3A_828 : i32 to vector<16xi32>
    %select_n3A_830 = arith.select %eq3A_827, %broadcast_in_dim3A_829, %broadcast_in_dim3A_811 : vector<16xi1>, vector<16xi32>
    %min3A_831 = arith.minsi %min3A_826, %select_n3A_830 : vector<16xi32>
    %eq3A_832 = arith.cmpf oeq, %get3A_781, %max3A_809 : vector<16xf32>
    %jit3A_833 = arith.constant 4 : i32
    %broadcast_in_dim3A_834 = vector.broadcast %jit3A_833 : i32 to vector<16xi32>
    %select_n3A_835 = arith.select %eq3A_832, %broadcast_in_dim3A_834, %broadcast_in_dim3A_811 : vector<16xi1>, vector<16xi32>
    %min3A_836 = arith.minsi %min3A_831, %select_n3A_835 : vector<16xi32>
    %eq3A_837 = arith.cmpf oeq, %get3A_788, %max3A_809 : vector<16xf32>
    %jit3A_838 = arith.constant 5 : i32
    %broadcast_in_dim3A_839 = vector.broadcast %jit3A_838 : i32 to vector<16xi32>
    %select_n3A_840 = arith.select %eq3A_837, %broadcast_in_dim3A_839, %broadcast_in_dim3A_811 : vector<16xi1>, vector<16xi32>
    %min3A_841 = arith.minsi %min3A_836, %select_n3A_840 : vector<16xi32>
    %eq3A_842 = arith.cmpf oeq, %get3A_795, %max3A_809 : vector<16xf32>
    %jit3A_843 = arith.constant 6 : i32
    %broadcast_in_dim3A_844 = vector.broadcast %jit3A_843 : i32 to vector<16xi32>
    %select_n3A_845 = arith.select %eq3A_842, %broadcast_in_dim3A_844, %broadcast_in_dim3A_811 : vector<16xi1>, vector<16xi32>
    %min3A_846 = arith.minsi %min3A_841, %select_n3A_845 : vector<16xi32>
    %eq3A_847 = arith.cmpf oeq, %get3A_802, %max3A_809 : vector<16xf32>
    %jit3A_848 = arith.constant 7 : i32
    %broadcast_in_dim3A_849 = vector.broadcast %jit3A_848 : i32 to vector<16xi32>
    %select_n3A_850 = arith.select %eq3A_847, %broadcast_in_dim3A_849, %broadcast_in_dim3A_811 : vector<16xi1>, vector<16xi32>
    %min3A_851 = arith.minsi %min3A_846, %select_n3A_850 : vector<16xi32>
    %broadcast_in_dim3A_852 = arith.constant 0xFF800000 : f32
    %broadcast_in_dim3A_853 = vector.broadcast %broadcast_in_dim3A_852 : f32 to vector<16xf32>
    %eq3A_854 = arith.constant 0 : i32
    %eq3A_855 = vector.broadcast %eq3A_854 : i32 to vector<16xi32>
    %eq3A_856 = arith.cmpi eq, %min3A_851, %eq3A_855 : vector<16xi32>
    %select_n3A_857 = arith.select %eq3A_856, %broadcast_in_dim3A_853, %get3A_753 : vector<16xi1>, vector<16xf32>
    %eq3A_858 = arith.constant 1 : i32
    %eq3A_859 = vector.broadcast %eq3A_858 : i32 to vector<16xi32>
    %eq3A_860 = arith.cmpi eq, %min3A_851, %eq3A_859 : vector<16xi32>
    %select_n3A_861 = arith.select %eq3A_860, %broadcast_in_dim3A_853, %get3A_760 : vector<16xi1>, vector<16xf32>
    %eq3A_862 = arith.constant 2 : i32
    %eq3A_863 = vector.broadcast %eq3A_862 : i32 to vector<16xi32>
    %eq3A_864 = arith.cmpi eq, %min3A_851, %eq3A_863 : vector<16xi32>
    %select_n3A_865 = arith.select %eq3A_864, %broadcast_in_dim3A_853, %get3A_767 : vector<16xi1>, vector<16xf32>
    %eq3A_866 = arith.constant 3 : i32
    %eq3A_867 = vector.broadcast %eq3A_866 : i32 to vector<16xi32>
    %eq3A_868 = arith.cmpi eq, %min3A_851, %eq3A_867 : vector<16xi32>
    %select_n3A_869 = arith.select %eq3A_868, %broadcast_in_dim3A_853, %get3A_774 : vector<16xi1>, vector<16xf32>
    %eq3A_870 = arith.constant 4 : i32
    %eq3A_871 = vector.broadcast %eq3A_870 : i32 to vector<16xi32>
    %eq3A_872 = arith.cmpi eq, %min3A_851, %eq3A_871 : vector<16xi32>
    %select_n3A_873 = arith.select %eq3A_872, %broadcast_in_dim3A_853, %get3A_781 : vector<16xi1>, vector<16xf32>
    %eq3A_874 = arith.constant 5 : i32
    %eq3A_875 = vector.broadcast %eq3A_874 : i32 to vector<16xi32>
    %eq3A_876 = arith.cmpi eq, %min3A_851, %eq3A_875 : vector<16xi32>
    %select_n3A_877 = arith.select %eq3A_876, %broadcast_in_dim3A_853, %get3A_788 : vector<16xi1>, vector<16xf32>
    %eq3A_878 = arith.constant 6 : i32
    %eq3A_879 = vector.broadcast %eq3A_878 : i32 to vector<16xi32>
    %eq3A_880 = arith.cmpi eq, %min3A_851, %eq3A_879 : vector<16xi32>
    %select_n3A_881 = arith.select %eq3A_880, %broadcast_in_dim3A_853, %get3A_795 : vector<16xi1>, vector<16xf32>
    %eq3A_882 = arith.constant 7 : i32
    %eq3A_883 = vector.broadcast %eq3A_882 : i32 to vector<16xi32>
    %eq3A_884 = arith.cmpi eq, %min3A_851, %eq3A_883 : vector<16xi32>
    %select_n3A_885 = arith.select %eq3A_884, %broadcast_in_dim3A_853, %get3A_802 : vector<16xi1>, vector<16xf32>
    %max3A_886 = arith.maximumf %select_n3A_857, %select_n3A_861 : vector<16xf32>
    %max3A_887 = arith.maximumf %max3A_886, %select_n3A_865 : vector<16xf32>
    %max3A_888 = arith.maximumf %max3A_887, %select_n3A_869 : vector<16xf32>
    %max3A_889 = arith.maximumf %max3A_888, %select_n3A_873 : vector<16xf32>
    %max3A_890 = arith.maximumf %max3A_889, %select_n3A_877 : vector<16xf32>
    %max3A_891 = arith.maximumf %max3A_890, %select_n3A_881 : vector<16xf32>
    %max3A_892 = arith.maximumf %max3A_891, %select_n3A_885 : vector<16xf32>
    %eq3A_893 = arith.cmpf oeq, %select_n3A_857, %max3A_892 : vector<16xf32>
    %jit3A_894 = arith.constant 0 : i32
    %broadcast_in_dim3A_895 = vector.broadcast %jit3A_894 : i32 to vector<16xi32>
    %select_n3A_896 = arith.select %eq3A_893, %broadcast_in_dim3A_895, %broadcast_in_dim3A_811 : vector<16xi1>, vector<16xi32>
    %min3A_897 = arith.minsi %broadcast_in_dim3A_811, %select_n3A_896 : vector<16xi32>
    %eq3A_898 = arith.cmpf oeq, %select_n3A_861, %max3A_892 : vector<16xf32>
    %jit3A_899 = arith.constant 1 : i32
    %broadcast_in_dim3A_900 = vector.broadcast %jit3A_899 : i32 to vector<16xi32>
    %select_n3A_901 = arith.select %eq3A_898, %broadcast_in_dim3A_900, %broadcast_in_dim3A_811 : vector<16xi1>, vector<16xi32>
    %min3A_902 = arith.minsi %min3A_897, %select_n3A_901 : vector<16xi32>
    %eq3A_903 = arith.cmpf oeq, %select_n3A_865, %max3A_892 : vector<16xf32>
    %jit3A_904 = arith.constant 2 : i32
    %broadcast_in_dim3A_905 = vector.broadcast %jit3A_904 : i32 to vector<16xi32>
    %select_n3A_906 = arith.select %eq3A_903, %broadcast_in_dim3A_905, %broadcast_in_dim3A_811 : vector<16xi1>, vector<16xi32>
    %min3A_907 = arith.minsi %min3A_902, %select_n3A_906 : vector<16xi32>
    %eq3A_908 = arith.cmpf oeq, %select_n3A_869, %max3A_892 : vector<16xf32>
    %jit3A_909 = arith.constant 3 : i32
    %broadcast_in_dim3A_910 = vector.broadcast %jit3A_909 : i32 to vector<16xi32>
    %select_n3A_911 = arith.select %eq3A_908, %broadcast_in_dim3A_910, %broadcast_in_dim3A_811 : vector<16xi1>, vector<16xi32>
    %min3A_912 = arith.minsi %min3A_907, %select_n3A_911 : vector<16xi32>
    %eq3A_913 = arith.cmpf oeq, %select_n3A_873, %max3A_892 : vector<16xf32>
    %jit3A_914 = arith.constant 4 : i32
    %broadcast_in_dim3A_915 = vector.broadcast %jit3A_914 : i32 to vector<16xi32>
    %select_n3A_916 = arith.select %eq3A_913, %broadcast_in_dim3A_915, %broadcast_in_dim3A_811 : vector<16xi1>, vector<16xi32>
    %min3A_917 = arith.minsi %min3A_912, %select_n3A_916 : vector<16xi32>
    %eq3A_918 = arith.cmpf oeq, %select_n3A_877, %max3A_892 : vector<16xf32>
    %jit3A_919 = arith.constant 5 : i32
    %broadcast_in_dim3A_920 = vector.broadcast %jit3A_919 : i32 to vector<16xi32>
    %select_n3A_921 = arith.select %eq3A_918, %broadcast_in_dim3A_920, %broadcast_in_dim3A_811 : vector<16xi1>, vector<16xi32>
    %min3A_922 = arith.minsi %min3A_917, %select_n3A_921 : vector<16xi32>
    %eq3A_923 = arith.cmpf oeq, %select_n3A_881, %max3A_892 : vector<16xf32>
    %jit3A_924 = arith.constant 6 : i32
    %broadcast_in_dim3A_925 = vector.broadcast %jit3A_924 : i32 to vector<16xi32>
    %select_n3A_926 = arith.select %eq3A_923, %broadcast_in_dim3A_925, %broadcast_in_dim3A_811 : vector<16xi1>, vector<16xi32>
    %min3A_927 = arith.minsi %min3A_922, %select_n3A_926 : vector<16xi32>
    %eq3A_928 = arith.cmpf oeq, %select_n3A_885, %max3A_892 : vector<16xf32>
    %jit3A_929 = arith.constant 7 : i32
    %broadcast_in_dim3A_930 = vector.broadcast %jit3A_929 : i32 to vector<16xi32>
    %select_n3A_931 = arith.select %eq3A_928, %broadcast_in_dim3A_930, %broadcast_in_dim3A_811 : vector<16xi1>, vector<16xi32>
    %min3A_932 = arith.minsi %min3A_927, %select_n3A_931 : vector<16xi32>
    %neg3A_933 = arith.constant 0.000000e+00 : f32
    %neg3A_934 = vector.broadcast %neg3A_933 : f32 to vector<16xf32>
    %neg3A_935 = arith.subf %neg3A_934, %get3A_753 : vector<16xf32>
    %exp3A_936 = math.exp %neg3A_935 : vector<16xf32>
    %add3A_937 = arith.constant 1.000000e+00 : f32
    %add3A_938 = vector.broadcast %add3A_937 : f32 to vector<16xf32>
    %add3A_939 = arith.addf %add3A_938, %exp3A_936 : vector<16xf32>
    %div3A_940 = arith.constant 1.000000e+00 : f32
    %div3A_941 = vector.broadcast %div3A_940 : f32 to vector<16xf32>
    %div3A_942 = arith.divf %div3A_941, %add3A_939 : vector<16xf32>
    %eq3A_943 = arith.constant 0 : i32
    %eq3A_944 = vector.broadcast %eq3A_943 : i32 to vector<16xi32>
    %eq3A_945 = arith.cmpi eq, %min3A_851, %eq3A_944 : vector<16xi32>
    %eq3A_946 = arith.constant 0 : i32
    %eq3A_947 = vector.broadcast %eq3A_946 : i32 to vector<16xi32>
    %eq3A_948 = arith.cmpi eq, %min3A_932, %eq3A_947 : vector<16xi32>
    %or3A_949 = arith.ori %eq3A_945, %eq3A_948 : vector<16xi1>
    %jit3A_950 = arith.constant 0.000000e+00 : f32
    %broadcast_in_dim3A_951 = vector.broadcast %jit3A_950 : f32 to vector<16xf32>
    %select_n3A_952 = arith.select %or3A_949, %div3A_942, %broadcast_in_dim3A_951 : vector<16xi1>, vector<16xf32>
    %swap3A_953 = arith.constant 32 : index
    %swap3A_954 = tpu.vector_load %arg5[%swap3A_953] {strides = array<i32>} : memref<512xf32, #tpu.memory_space<vmem>>, vector<16xf32>,
    %swap3A_955 = vector.shape_cast %swap3A_954 : vector<16xf32> to vector<16xf32>
    %swap3A_956 = vector.shape_cast %select_n3A_952 : vector<16xf32> to vector<16xf32>
    tpu.vector_store %arg5[%swap3A_953], %swap3A_956 {strides = array<i32>} : memref<512xf32, #tpu.memory_space<vmem>>, vector<16xf32>,
    %neg3A_957 = arith.constant 0.000000e+00 : f32
    %neg3A_958 = vector.broadcast %neg3A_957 : f32 to vector<16xf32>
    %neg3A_959 = arith.subf %neg3A_958, %get3A_760 : vector<16xf32>
    %exp3A_960 = math.exp %neg3A_959 : vector<16xf32>
    %add3A_961 = arith.constant 1.000000e+00 : f32
    %add3A_962 = vector.broadcast %add3A_961 : f32 to vector<16xf32>
    %add3A_963 = arith.addf %add3A_962, %exp3A_960 : vector<16xf32>
    %div3A_964 = arith.constant 1.000000e+00 : f32
    %div3A_965 = vector.broadcast %div3A_964 : f32 to vector<16xf32>
    %div3A_966 = arith.divf %div3A_965, %add3A_963 : vector<16xf32>
    %eq3A_967 = arith.constant 1 : i32
    %eq3A_968 = vector.broadcast %eq3A_967 : i32 to vector<16xi32>
    %eq3A_969 = arith.cmpi eq, %min3A_851, %eq3A_968 : vector<16xi32>
    %eq3A_970 = arith.constant 1 : i32
    %eq3A_971 = vector.broadcast %eq3A_970 : i32 to vector<16xi32>
    %eq3A_972 = arith.cmpi eq, %min3A_932, %eq3A_971 : vector<16xi32>
    %or3A_973 = arith.ori %eq3A_969, %eq3A_972 : vector<16xi1>
    %jit3A_974 = arith.constant 0.000000e+00 : f32
    %broadcast_in_dim3A_975 = vector.broadcast %jit3A_974 : f32 to vector<16xf32>
    %select_n3A_976 = arith.select %or3A_973, %div3A_966, %broadcast_in_dim3A_975 : vector<16xi1>, vector<16xf32>
    %swap3A_977 = arith.constant 96 : index
    %swap3A_978 = tpu.vector_load %arg5[%swap3A_977] {strides = array<i32>} : memref<512xf32, #tpu.memory_space<vmem>>, vector<16xf32>,
    %swap3A_979 = vector.shape_cast %swap3A_978 : vector<16xf32> to vector<16xf32>
    %swap3A_980 = vector.shape_cast %select_n3A_976 : vector<16xf32> to vector<16xf32>
    tpu.vector_store %arg5[%swap3A_977], %swap3A_980 {strides = array<i32>} : memref<512xf32, #tpu.memory_space<vmem>>, vector<16xf32>,
    %neg3A_981 = arith.constant 0.000000e+00 : f32
    %neg3A_982 = vector.broadcast %neg3A_981 : f32 to vector<16xf32>
    %neg3A_983 = arith.subf %neg3A_982, %get3A_767 : vector<16xf32>
    %exp3A_984 = math.exp %neg3A_983 : vector<16xf32>
    %add3A_985 = arith.constant 1.000000e+00 : f32
    %add3A_986 = vector.broadcast %add3A_985 : f32 to vector<16xf32>
    %add3A_987 = arith.addf %add3A_986, %exp3A_984 : vector<16xf32>
    %div3A_988 = arith.constant 1.000000e+00 : f32
    %div3A_989 = vector.broadcast %div3A_988 : f32 to vector<16xf32>
    %div3A_990 = arith.divf %div3A_989, %add3A_987 : vector<16xf32>
    %eq3A_991 = arith.constant 2 : i32
    %eq3A_992 = vector.broadcast %eq3A_991 : i32 to vector<16xi32>
    %eq3A_993 = arith.cmpi eq, %min3A_851, %eq3A_992 : vector<16xi32>
    %eq3A_994 = arith.constant 2 : i32
    %eq3A_995 = vector.broadcast %eq3A_994 : i32 to vector<16xi32>
    %eq3A_996 = arith.cmpi eq, %min3A_932, %eq3A_995 : vector<16xi32>
    %or3A_997 = arith.ori %eq3A_993, %eq3A_996 : vector<16xi1>
    %jit3A_998 = arith.constant 0.000000e+00 : f32
    %broadcast_in_dim3A_999 = vector.broadcast %jit3A_998 : f32 to vector<16xf32>
    %select_n3A_1000 = arith.select %or3A_997, %div3A_990, %broadcast_in_dim3A_999 : vector<16xi1>, vector<16xf32>
    %swap3A_1001 = arith.constant 160 : index
    %swap3A_1002 = tpu.vector_load %arg5[%swap3A_1001] {strides = array<i32>} : memref<512xf32, #tpu.memory_space<vmem>>, vector<16xf32>,
    %swap3A_1003 = vector.shape_cast %swap3A_1002 : vector<16xf32> to vector<16xf32>
    %swap3A_1004 = vector.shape_cast %select_n3A_1000 : vector<16xf32> to vector<16xf32>
    tpu.vector_store %arg5[%swap3A_1001], %swap3A_1004 {strides = array<i32>} : memref<512xf32, #tpu.memory_space<vmem>>, vector<16xf32>,
    %neg3A_1005 = arith.constant 0.000000e+00 : f32
    %neg3A_1006 = vector.broadcast %neg3A_1005 : f32 to vector<16xf32>
    %neg3A_1007 = arith.subf %neg3A_1006, %get3A_774 : vector<16xf32>
    %exp3A_1008 = math.exp %neg3A_1007 : vector<16xf32>
    %add3A_1009 = arith.constant 1.000000e+00 : f32
    %add3A_1010 = vector.broadcast %add3A_1009 : f32 to vector<16xf32>
    %add3A_1011 = arith.addf %add3A_1010, %exp3A_1008 : vector<16xf32>
    %div3A_1012 = arith.constant 1.000000e+00 : f32
    %div3A_1013 = vector.broadcast %div3A_1012 : f32 to vector<16xf32>
    %div3A_1014 = arith.divf %div3A_1013, %add3A_1011 : vector<16xf32>
    %eq3A_1015 = arith.constant 3 : i32
    %eq3A_1016 = vector.broadcast %eq3A_1015 : i32 to vector<16xi32>
    %eq3A_1017 = arith.cmpi eq, %min3A_851, %eq3A_1016 : vector<16xi32>
    %eq3A_1018 = arith.constant 3 : i32
    %eq3A_1019 = vector.broadcast %eq3A_1018 : i32 to vector<16xi32>
    %eq3A_1020 = arith.cmpi eq, %min3A_932, %eq3A_1019 : vector<16xi32>
    %or3A_1021 = arith.ori %eq3A_1017, %eq3A_1020 : vector<16xi1>
    %jit3A_1022 = arith.constant 0.000000e+00 : f32
    %broadcast_in_dim3A_1023 = vector.broadcast %jit3A_1022 : f32 to vector<16xf32>
    %select_n3A_1024 = arith.select %or3A_1021, %div3A_1014, %broadcast_in_dim3A_1023 : vector<16xi1>, vector<16xf32>
    %swap3A_1025 = arith.constant 224 : index
    %swap3A_1026 = tpu.vector_load %arg5[%swap3A_1025] {strides = array<i32>} : memref<512xf32, #tpu.memory_space<vmem>>, vector<16xf32>,
    %swap3A_1027 = vector.shape_cast %swap3A_1026 : vector<16xf32> to vector<16xf32>
    %swap3A_1028 = vector.shape_cast %select_n3A_1024 : vector<16xf32> to vector<16xf32>
    tpu.vector_store %arg5[%swap3A_1025], %swap3A_1028 {strides = array<i32>} : memref<512xf32, #tpu.memory_space<vmem>>, vector<16xf32>,
    %neg3A_1029 = arith.constant 0.000000e+00 : f32
    %neg3A_1030 = vector.broadcast %neg3A_1029 : f32 to vector<16xf32>
    %neg3A_1031 = arith.subf %neg3A_1030, %get3A_781 : vector<16xf32>
    %exp3A_1032 = math.exp %neg3A_1031 : vector<16xf32>
    %add3A_1033 = arith.constant 1.000000e+00 : f32
    %add3A_1034 = vector.broadcast %add3A_1033 : f32 to vector<16xf32>
    %add3A_1035 = arith.addf %add3A_1034, %exp3A_1032 : vector<16xf32>
    %div3A_1036 = arith.constant 1.000000e+00 : f32
    %div3A_1037 = vector.broadcast %div3A_1036 : f32 to vector<16xf32>
    %div3A_1038 = arith.divf %div3A_1037, %add3A_1035 : vector<16xf32>
    %eq3A_1039 = arith.constant 4 : i32
    %eq3A_1040 = vector.broadcast %eq3A_1039 : i32 to vector<16xi32>
    %eq3A_1041 = arith.cmpi eq, %min3A_851, %eq3A_1040 : vector<16xi32>
    %eq3A_1042 = arith.constant 4 : i32
    %eq3A_1043 = vector.broadcast %eq3A_1042 : i32 to vector<16xi32>
    %eq3A_1044 = arith.cmpi eq, %min3A_932, %eq3A_1043 : vector<16xi32>
    %or3A_1045 = arith.ori %eq3A_1041, %eq3A_1044 : vector<16xi1>
    %jit3A_1046 = arith.constant 0.000000e+00 : f32
    %broadcast_in_dim3A_1047 = vector.broadcast %jit3A_1046 : f32 to vector<16xf32>
    %select_n3A_1048 = arith.select %or3A_1045, %div3A_1038, %broadcast_in_dim3A_1047 : vector<16xi1>, vector<16xf32>
    %swap3A_1049 = arith.constant 288 : index
    %swap3A_1050 = tpu.vector_load %arg5[%swap3A_1049] {strides = array<i32>} : memref<512xf32, #tpu.memory_space<vmem>>, vector<16xf32>,
    %swap3A_1051 = vector.shape_cast %swap3A_1050 : vector<16xf32> to vector<16xf32>
    %swap3A_1052 = vector.shape_cast %select_n3A_1048 : vector<16xf32> to vector<16xf32>
    tpu.vector_store %arg5[%swap3A_1049], %swap3A_1052 {strides = array<i32>} : memref<512xf32, #tpu.memory_space<vmem>>, vector<16xf32>,
    %neg3A_1053 = arith.constant 0.000000e+00 : f32
    %neg3A_1054 = vector.broadcast %neg3A_1053 : f32 to vector<16xf32>
    %neg3A_1055 = arith.subf %neg3A_1054, %get3A_788 : vector<16xf32>
    %exp3A_1056 = math.exp %neg3A_1055 : vector<16xf32>
    %add3A_1057 = arith.constant 1.000000e+00 : f32
    %add3A_1058 = vector.broadcast %add3A_1057 : f32 to vector<16xf32>
    %add3A_1059 = arith.addf %add3A_1058, %exp3A_1056 : vector<16xf32>
    %div3A_1060 = arith.constant 1.000000e+00 : f32
    %div3A_1061 = vector.broadcast %div3A_1060 : f32 to vector<16xf32>
    %div3A_1062 = arith.divf %div3A_1061, %add3A_1059 : vector<16xf32>
    %eq3A_1063 = arith.constant 5 : i32
    %eq3A_1064 = vector.broadcast %eq3A_1063 : i32 to vector<16xi32>
    %eq3A_1065 = arith.cmpi eq, %min3A_851, %eq3A_1064 : vector<16xi32>
    %eq3A_1066 = arith.constant 5 : i32
    %eq3A_1067 = vector.broadcast %eq3A_1066 : i32 to vector<16xi32>
    %eq3A_1068 = arith.cmpi eq, %min3A_932, %eq3A_1067 : vector<16xi32>
    %or3A_1069 = arith.ori %eq3A_1065, %eq3A_1068 : vector<16xi1>
    %jit3A_1070 = arith.constant 0.000000e+00 : f32
    %broadcast_in_dim3A_1071 = vector.broadcast %jit3A_1070 : f32 to vector<16xf32>
    %select_n3A_1072 = arith.select %or3A_1069, %div3A_1062, %broadcast_in_dim3A_1071 : vector<16xi1>, vector<16xf32>
    %swap3A_1073 = arith.constant 352 : index
    %swap3A_1074 = tpu.vector_load %arg5[%swap3A_1073] {strides = array<i32>} : memref<512xf32, #tpu.memory_space<vmem>>, vector<16xf32>,
    %swap3A_1075 = vector.shape_cast %swap3A_1074 : vector<16xf32> to vector<16xf32>
    %swap3A_1076 = vector.shape_cast %select_n3A_1072 : vector<16xf32> to vector<16xf32>
    tpu.vector_store %arg5[%swap3A_1073], %swap3A_1076 {strides = array<i32>} : memref<512xf32, #tpu.memory_space<vmem>>, vector<16xf32>,
    %neg3A_1077 = arith.constant 0.000000e+00 : f32
    %neg3A_1078 = vector.broadcast %neg3A_1077 : f32 to vector<16xf32>
    %neg3A_1079 = arith.subf %neg3A_1078, %get3A_795 : vector<16xf32>
    %exp3A_1080 = math.exp %neg3A_1079 : vector<16xf32>
    %add3A_1081 = arith.constant 1.000000e+00 : f32
    %add3A_1082 = vector.broadcast %add3A_1081 : f32 to vector<16xf32>
    %add3A_1083 = arith.addf %add3A_1082, %exp3A_1080 : vector<16xf32>
    %div3A_1084 = arith.constant 1.000000e+00 : f32
    %div3A_1085 = vector.broadcast %div3A_1084 : f32 to vector<16xf32>
    %div3A_1086 = arith.divf %div3A_1085, %add3A_1083 : vector<16xf32>
    %eq3A_1087 = arith.constant 6 : i32
    %eq3A_1088 = vector.broadcast %eq3A_1087 : i32 to vector<16xi32>
    %eq3A_1089 = arith.cmpi eq, %min3A_851, %eq3A_1088 : vector<16xi32>
    %eq3A_1090 = arith.constant 6 : i32
    %eq3A_1091 = vector.broadcast %eq3A_1090 : i32 to vector<16xi32>
    %eq3A_1092 = arith.cmpi eq, %min3A_932, %eq3A_1091 : vector<16xi32>
    %or3A_1093 = arith.ori %eq3A_1089, %eq3A_1092 : vector<16xi1>
    %jit3A_1094 = arith.constant 0.000000e+00 : f32
    %broadcast_in_dim3A_1095 = vector.broadcast %jit3A_1094 : f32 to vector<16xf32>
    %select_n3A_1096 = arith.select %or3A_1093, %div3A_1086, %broadcast_in_dim3A_1095 : vector<16xi1>, vector<16xf32>
    %swap3A_1097 = arith.constant 416 : index
    %swap3A_1098 = tpu.vector_load %arg5[%swap3A_1097] {strides = array<i32>} : memref<512xf32, #tpu.memory_space<vmem>>, vector<16xf32>,
    %swap3A_1099 = vector.shape_cast %swap3A_1098 : vector<16xf32> to vector<16xf32>
    %swap3A_1100 = vector.shape_cast %select_n3A_1096 : vector<16xf32> to vector<16xf32>
    tpu.vector_store %arg5[%swap3A_1097], %swap3A_1100 {strides = array<i32>} : memref<512xf32, #tpu.memory_space<vmem>>, vector<16xf32>,
    %neg3A_1101 = arith.constant 0.000000e+00 : f32
    %neg3A_1102 = vector.broadcast %neg3A_1101 : f32 to vector<16xf32>
    %neg3A_1103 = arith.subf %neg3A_1102, %get3A_802 : vector<16xf32>
    %exp3A_1104 = math.exp %neg3A_1103 : vector<16xf32>
    %add3A_1105 = arith.constant 1.000000e+00 : f32
    %add3A_1106 = vector.broadcast %add3A_1105 : f32 to vector<16xf32>
    %add3A_1107 = arith.addf %add3A_1106, %exp3A_1104 : vector<16xf32>
    %div3A_1108 = arith.constant 1.000000e+00 : f32
    %div3A_1109 = vector.broadcast %div3A_1108 : f32 to vector<16xf32>
    %div3A_1110 = arith.divf %div3A_1109, %add3A_1107 : vector<16xf32>
    %eq3A_1111 = arith.constant 7 : i32
    %eq3A_1112 = vector.broadcast %eq3A_1111 : i32 to vector<16xi32>
    %eq3A_1113 = arith.cmpi eq, %min3A_851, %eq3A_1112 : vector<16xi32>
    %eq3A_1114 = arith.constant 7 : i32
    %eq3A_1115 = vector.broadcast %eq3A_1114 : i32 to vector<16xi32>
    %eq3A_1116 = arith.cmpi eq, %min3A_932, %eq3A_1115 : vector<16xi32>
    %or3A_1117 = arith.ori %eq3A_1113, %eq3A_1116 : vector<16xi1>
    %jit3A_1118 = arith.constant 0.000000e+00 : f32
    %broadcast_in_dim3A_1119 = vector.broadcast %jit3A_1118 : f32 to vector<16xf32>
    %select_n3A_1120 = arith.select %or3A_1117, %div3A_1110, %broadcast_in_dim3A_1119 : vector<16xi1>, vector<16xf32>
    %swap3A_1121 = arith.constant 480 : index
    %swap3A_1122 = tpu.vector_load %arg5[%swap3A_1121] {strides = array<i32>} : memref<512xf32, #tpu.memory_space<vmem>>, vector<16xf32>,
    %swap3A_1123 = vector.shape_cast %swap3A_1122 : vector<16xf32> to vector<16xf32>
    %swap3A_1124 = vector.shape_cast %select_n3A_1120 : vector<16xf32> to vector<16xf32>
    tpu.vector_store %arg5[%swap3A_1121], %swap3A_1124 {strides = array<i32>} : memref<512xf32, #tpu.memory_space<vmem>>, vector<16xf32>,
    %add3A_1125 = arith.constant 0 : i32
    %add3A_1126 = arith.addi %add3A_1125, %mul3A_2 : i32
    %add3A_1127 = arith.constant 48 : i32
    %add3A_1128 = arith.addi %add3A_1126, %add3A_1127 : i32
    %get3A_1129 = arith.index_cast %add3A_1128 : i32 to index
    %get3A_1130 = tpu.vector_load %arg4[%get3A_1129] {strides = array<i32>} : memref<16384xf32, #tpu.memory_space<vmem>>, vector<16xf32>,
    %get3A_1131 = vector.shape_cast %get3A_1130 : vector<16xf32> to vector<16xf32>
    %add3A_1132 = arith.constant 2048 : i32
    %add3A_1133 = arith.addi %add3A_1132, %mul3A_2 : i32
    %add3A_1134 = arith.constant 48 : i32
    %add3A_1135 = arith.addi %add3A_1133, %add3A_1134 : i32
    %get3A_1136 = arith.index_cast %add3A_1135 : i32 to index
    %get3A_1137 = tpu.vector_load %arg4[%get3A_1136] {strides = array<i32>} : memref<16384xf32, #tpu.memory_space<vmem>>, vector<16xf32>,
    %get3A_1138 = vector.shape_cast %get3A_1137 : vector<16xf32> to vector<16xf32>
    %add3A_1139 = arith.constant 4096 : i32
    %add3A_1140 = arith.addi %add3A_1139, %mul3A_2 : i32
    %add3A_1141 = arith.constant 48 : i32
    %add3A_1142 = arith.addi %add3A_1140, %add3A_1141 : i32
    %get3A_1143 = arith.index_cast %add3A_1142 : i32 to index
    %get3A_1144 = tpu.vector_load %arg4[%get3A_1143] {strides = array<i32>} : memref<16384xf32, #tpu.memory_space<vmem>>, vector<16xf32>,
    %get3A_1145 = vector.shape_cast %get3A_1144 : vector<16xf32> to vector<16xf32>
    %add3A_1146 = arith.constant 6144 : i32
    %add3A_1147 = arith.addi %add3A_1146, %mul3A_2 : i32
    %add3A_1148 = arith.constant 48 : i32
    %add3A_1149 = arith.addi %add3A_1147, %add3A_1148 : i32
    %get3A_1150 = arith.index_cast %add3A_1149 : i32 to index
    %get3A_1151 = tpu.vector_load %arg4[%get3A_1150] {strides = array<i32>} : memref<16384xf32, #tpu.memory_space<vmem>>, vector<16xf32>,
    %get3A_1152 = vector.shape_cast %get3A_1151 : vector<16xf32> to vector<16xf32>
    %add3A_1153 = arith.constant 8192 : i32
    %add3A_1154 = arith.addi %add3A_1153, %mul3A_2 : i32
    %add3A_1155 = arith.constant 48 : i32
    %add3A_1156 = arith.addi %add3A_1154, %add3A_1155 : i32
    %get3A_1157 = arith.index_cast %add3A_1156 : i32 to index
    %get3A_1158 = tpu.vector_load %arg4[%get3A_1157] {strides = array<i32>} : memref<16384xf32, #tpu.memory_space<vmem>>, vector<16xf32>,
    %get3A_1159 = vector.shape_cast %get3A_1158 : vector<16xf32> to vector<16xf32>
    %add3A_1160 = arith.constant 10240 : i32
    %add3A_1161 = arith.addi %add3A_1160, %mul3A_2 : i32
    %add3A_1162 = arith.constant 48 : i32
    %add3A_1163 = arith.addi %add3A_1161, %add3A_1162 : i32
    %get3A_1164 = arith.index_cast %add3A_1163 : i32 to index
    %get3A_1165 = tpu.vector_load %arg4[%get3A_1164] {strides = array<i32>} : memref<16384xf32, #tpu.memory_space<vmem>>, vector<16xf32>,
    %get3A_1166 = vector.shape_cast %get3A_1165 : vector<16xf32> to vector<16xf32>
    %add3A_1167 = arith.constant 12288 : i32
    %add3A_1168 = arith.addi %add3A_1167, %mul3A_2 : i32
    %add3A_1169 = arith.constant 48 : i32
    %add3A_1170 = arith.addi %add3A_1168, %add3A_1169 : i32
    %get3A_1171 = arith.index_cast %add3A_1170 : i32 to index
    %get3A_1172 = tpu.vector_load %arg4[%get3A_1171] {strides = array<i32>} : memref<16384xf32, #tpu.memory_space<vmem>>, vector<16xf32>,
    %get3A_1173 = vector.shape_cast %get3A_1172 : vector<16xf32> to vector<16xf32>
    %add3A_1174 = arith.constant 14336 : i32
    %add3A_1175 = arith.addi %add3A_1174, %mul3A_2 : i32
    %add3A_1176 = arith.constant 48 : i32
    %add3A_1177 = arith.addi %add3A_1175, %add3A_1176 : i32
    %get3A_1178 = arith.index_cast %add3A_1177 : i32 to index
    %get3A_1179 = tpu.vector_load %arg4[%get3A_1178] {strides = array<i32>} : memref<16384xf32, #tpu.memory_space<vmem>>, vector<16xf32>,
    %get3A_1180 = vector.shape_cast %get3A_1179 : vector<16xf32> to vector<16xf32>
    %max3A_1181 = arith.maximumf %get3A_1131, %get3A_1138 : vector<16xf32>
    %max3A_1182 = arith.maximumf %max3A_1181, %get3A_1145 : vector<16xf32>
    %max3A_1183 = arith.maximumf %max3A_1182, %get3A_1152 : vector<16xf32>
    %max3A_1184 = arith.maximumf %max3A_1183, %get3A_1159 : vector<16xf32>
    %max3A_1185 = arith.maximumf %max3A_1184, %get3A_1166 : vector<16xf32>
    %max3A_1186 = arith.maximumf %max3A_1185, %get3A_1173 : vector<16xf32>
    %max3A_1187 = arith.maximumf %max3A_1186, %get3A_1180 : vector<16xf32>
    %broadcast_in_dim3A_1188 = arith.constant 99 : i32
    %broadcast_in_dim3A_1189 = vector.broadcast %broadcast_in_dim3A_1188 : i32 to vector<16xi32>
    %eq3A_1190 = arith.cmpf oeq, %get3A_1131, %max3A_1187 : vector<16xf32>
    %jit3A_1191 = arith.constant 0 : i32
    %broadcast_in_dim3A_1192 = vector.broadcast %jit3A_1191 : i32 to vector<16xi32>
    %select_n3A_1193 = arith.select %eq3A_1190, %broadcast_in_dim3A_1192, %broadcast_in_dim3A_1189 : vector<16xi1>, vector<16xi32>
    %min3A_1194 = arith.minsi %broadcast_in_dim3A_1189, %select_n3A_1193 : vector<16xi32>
    %eq3A_1195 = arith.cmpf oeq, %get3A_1138, %max3A_1187 : vector<16xf32>
    %jit3A_1196 = arith.constant 1 : i32
    %broadcast_in_dim3A_1197 = vector.broadcast %jit3A_1196 : i32 to vector<16xi32>
    %select_n3A_1198 = arith.select %eq3A_1195, %broadcast_in_dim3A_1197, %broadcast_in_dim3A_1189 : vector<16xi1>, vector<16xi32>
    %min3A_1199 = arith.minsi %min3A_1194, %select_n3A_1198 : vector<16xi32>
    %eq3A_1200 = arith.cmpf oeq, %get3A_1145, %max3A_1187 : vector<16xf32>
    %jit3A_1201 = arith.constant 2 : i32
    %broadcast_in_dim3A_1202 = vector.broadcast %jit3A_1201 : i32 to vector<16xi32>
    %select_n3A_1203 = arith.select %eq3A_1200, %broadcast_in_dim3A_1202, %broadcast_in_dim3A_1189 : vector<16xi1>, vector<16xi32>
    %min3A_1204 = arith.minsi %min3A_1199, %select_n3A_1203 : vector<16xi32>
    %eq3A_1205 = arith.cmpf oeq, %get3A_1152, %max3A_1187 : vector<16xf32>
    %jit3A_1206 = arith.constant 3 : i32
    %broadcast_in_dim3A_1207 = vector.broadcast %jit3A_1206 : i32 to vector<16xi32>
    %select_n3A_1208 = arith.select %eq3A_1205, %broadcast_in_dim3A_1207, %broadcast_in_dim3A_1189 : vector<16xi1>, vector<16xi32>
    %min3A_1209 = arith.minsi %min3A_1204, %select_n3A_1208 : vector<16xi32>
    %eq3A_1210 = arith.cmpf oeq, %get3A_1159, %max3A_1187 : vector<16xf32>
    %jit3A_1211 = arith.constant 4 : i32
    %broadcast_in_dim3A_1212 = vector.broadcast %jit3A_1211 : i32 to vector<16xi32>
    %select_n3A_1213 = arith.select %eq3A_1210, %broadcast_in_dim3A_1212, %broadcast_in_dim3A_1189 : vector<16xi1>, vector<16xi32>
    %min3A_1214 = arith.minsi %min3A_1209, %select_n3A_1213 : vector<16xi32>
    %eq3A_1215 = arith.cmpf oeq, %get3A_1166, %max3A_1187 : vector<16xf32>
    %jit3A_1216 = arith.constant 5 : i32
    %broadcast_in_dim3A_1217 = vector.broadcast %jit3A_1216 : i32 to vector<16xi32>
    %select_n3A_1218 = arith.select %eq3A_1215, %broadcast_in_dim3A_1217, %broadcast_in_dim3A_1189 : vector<16xi1>, vector<16xi32>
    %min3A_1219 = arith.minsi %min3A_1214, %select_n3A_1218 : vector<16xi32>
    %eq3A_1220 = arith.cmpf oeq, %get3A_1173, %max3A_1187 : vector<16xf32>
    %jit3A_1221 = arith.constant 6 : i32
    %broadcast_in_dim3A_1222 = vector.broadcast %jit3A_1221 : i32 to vector<16xi32>
    %select_n3A_1223 = arith.select %eq3A_1220, %broadcast_in_dim3A_1222, %broadcast_in_dim3A_1189 : vector<16xi1>, vector<16xi32>
    %min3A_1224 = arith.minsi %min3A_1219, %select_n3A_1223 : vector<16xi32>
    %eq3A_1225 = arith.cmpf oeq, %get3A_1180, %max3A_1187 : vector<16xf32>
    %jit3A_1226 = arith.constant 7 : i32
    %broadcast_in_dim3A_1227 = vector.broadcast %jit3A_1226 : i32 to vector<16xi32>
    %select_n3A_1228 = arith.select %eq3A_1225, %broadcast_in_dim3A_1227, %broadcast_in_dim3A_1189 : vector<16xi1>, vector<16xi32>
    %min3A_1229 = arith.minsi %min3A_1224, %select_n3A_1228 : vector<16xi32>
    %broadcast_in_dim3A_1230 = arith.constant 0xFF800000 : f32
    %broadcast_in_dim3A_1231 = vector.broadcast %broadcast_in_dim3A_1230 : f32 to vector<16xf32>
    %eq3A_1232 = arith.constant 0 : i32
    %eq3A_1233 = vector.broadcast %eq3A_1232 : i32 to vector<16xi32>
    %eq3A_1234 = arith.cmpi eq, %min3A_1229, %eq3A_1233 : vector<16xi32>
    %select_n3A_1235 = arith.select %eq3A_1234, %broadcast_in_dim3A_1231, %get3A_1131 : vector<16xi1>, vector<16xf32>
    %eq3A_1236 = arith.constant 1 : i32
    %eq3A_1237 = vector.broadcast %eq3A_1236 : i32 to vector<16xi32>
    %eq3A_1238 = arith.cmpi eq, %min3A_1229, %eq3A_1237 : vector<16xi32>
    %select_n3A_1239 = arith.select %eq3A_1238, %broadcast_in_dim3A_1231, %get3A_1138 : vector<16xi1>, vector<16xf32>
    %eq3A_1240 = arith.constant 2 : i32
    %eq3A_1241 = vector.broadcast %eq3A_1240 : i32 to vector<16xi32>
    %eq3A_1242 = arith.cmpi eq, %min3A_1229, %eq3A_1241 : vector<16xi32>
    %select_n3A_1243 = arith.select %eq3A_1242, %broadcast_in_dim3A_1231, %get3A_1145 : vector<16xi1>, vector<16xf32>
    %eq3A_1244 = arith.constant 3 : i32
    %eq3A_1245 = vector.broadcast %eq3A_1244 : i32 to vector<16xi32>
    %eq3A_1246 = arith.cmpi eq, %min3A_1229, %eq3A_1245 : vector<16xi32>
    %select_n3A_1247 = arith.select %eq3A_1246, %broadcast_in_dim3A_1231, %get3A_1152 : vector<16xi1>, vector<16xf32>
    %eq3A_1248 = arith.constant 4 : i32
    %eq3A_1249 = vector.broadcast %eq3A_1248 : i32 to vector<16xi32>
    %eq3A_1250 = arith.cmpi eq, %min3A_1229, %eq3A_1249 : vector<16xi32>
    %select_n3A_1251 = arith.select %eq3A_1250, %broadcast_in_dim3A_1231, %get3A_1159 : vector<16xi1>, vector<16xf32>
    %eq3A_1252 = arith.constant 5 : i32
    %eq3A_1253 = vector.broadcast %eq3A_1252 : i32 to vector<16xi32>
    %eq3A_1254 = arith.cmpi eq, %min3A_1229, %eq3A_1253 : vector<16xi32>
    %select_n3A_1255 = arith.select %eq3A_1254, %broadcast_in_dim3A_1231, %get3A_1166 : vector<16xi1>, vector<16xf32>
    %eq3A_1256 = arith.constant 6 : i32
    %eq3A_1257 = vector.broadcast %eq3A_1256 : i32 to vector<16xi32>
    %eq3A_1258 = arith.cmpi eq, %min3A_1229, %eq3A_1257 : vector<16xi32>
    %select_n3A_1259 = arith.select %eq3A_1258, %broadcast_in_dim3A_1231, %get3A_1173 : vector<16xi1>, vector<16xf32>
    %eq3A_1260 = arith.constant 7 : i32
    %eq3A_1261 = vector.broadcast %eq3A_1260 : i32 to vector<16xi32>
    %eq3A_1262 = arith.cmpi eq, %min3A_1229, %eq3A_1261 : vector<16xi32>
    %select_n3A_1263 = arith.select %eq3A_1262, %broadcast_in_dim3A_1231, %get3A_1180 : vector<16xi1>, vector<16xf32>
    %max3A_1264 = arith.maximumf %select_n3A_1235, %select_n3A_1239 : vector<16xf32>
    %max3A_1265 = arith.maximumf %max3A_1264, %select_n3A_1243 : vector<16xf32>
    %max3A_1266 = arith.maximumf %max3A_1265, %select_n3A_1247 : vector<16xf32>
    %max3A_1267 = arith.maximumf %max3A_1266, %select_n3A_1251 : vector<16xf32>
    %max3A_1268 = arith.maximumf %max3A_1267, %select_n3A_1255 : vector<16xf32>
    %max3A_1269 = arith.maximumf %max3A_1268, %select_n3A_1259 : vector<16xf32>
    %max3A_1270 = arith.maximumf %max3A_1269, %select_n3A_1263 : vector<16xf32>
    %eq3A_1271 = arith.cmpf oeq, %select_n3A_1235, %max3A_1270 : vector<16xf32>
    %jit3A_1272 = arith.constant 0 : i32
    %broadcast_in_dim3A_1273 = vector.broadcast %jit3A_1272 : i32 to vector<16xi32>
    %select_n3A_1274 = arith.select %eq3A_1271, %broadcast_in_dim3A_1273, %broadcast_in_dim3A_1189 : vector<16xi1>, vector<16xi32>
    %min3A_1275 = arith.minsi %broadcast_in_dim3A_1189, %select_n3A_1274 : vector<16xi32>
    %eq3A_1276 = arith.cmpf oeq, %select_n3A_1239, %max3A_1270 : vector<16xf32>
    %jit3A_1277 = arith.constant 1 : i32
    %broadcast_in_dim3A_1278 = vector.broadcast %jit3A_1277 : i32 to vector<16xi32>
    %select_n3A_1279 = arith.select %eq3A_1276, %broadcast_in_dim3A_1278, %broadcast_in_dim3A_1189 : vector<16xi1>, vector<16xi32>
    %min3A_1280 = arith.minsi %min3A_1275, %select_n3A_1279 : vector<16xi32>
    %eq3A_1281 = arith.cmpf oeq, %select_n3A_1243, %max3A_1270 : vector<16xf32>
    %jit3A_1282 = arith.constant 2 : i32
    %broadcast_in_dim3A_1283 = vector.broadcast %jit3A_1282 : i32 to vector<16xi32>
    %select_n3A_1284 = arith.select %eq3A_1281, %broadcast_in_dim3A_1283, %broadcast_in_dim3A_1189 : vector<16xi1>, vector<16xi32>
    %min3A_1285 = arith.minsi %min3A_1280, %select_n3A_1284 : vector<16xi32>
    %eq3A_1286 = arith.cmpf oeq, %select_n3A_1247, %max3A_1270 : vector<16xf32>
    %jit3A_1287 = arith.constant 3 : i32
    %broadcast_in_dim3A_1288 = vector.broadcast %jit3A_1287 : i32 to vector<16xi32>
    %select_n3A_1289 = arith.select %eq3A_1286, %broadcast_in_dim3A_1288, %broadcast_in_dim3A_1189 : vector<16xi1>, vector<16xi32>
    %min3A_1290 = arith.minsi %min3A_1285, %select_n3A_1289 : vector<16xi32>
    %eq3A_1291 = arith.cmpf oeq, %select_n3A_1251, %max3A_1270 : vector<16xf32>
    %jit3A_1292 = arith.constant 4 : i32
    %broadcast_in_dim3A_1293 = vector.broadcast %jit3A_1292 : i32 to vector<16xi32>
    %select_n3A_1294 = arith.select %eq3A_1291, %broadcast_in_dim3A_1293, %broadcast_in_dim3A_1189 : vector<16xi1>, vector<16xi32>
    %min3A_1295 = arith.minsi %min3A_1290, %select_n3A_1294 : vector<16xi32>
    %eq3A_1296 = arith.cmpf oeq, %select_n3A_1255, %max3A_1270 : vector<16xf32>
    %jit3A_1297 = arith.constant 5 : i32
    %broadcast_in_dim3A_1298 = vector.broadcast %jit3A_1297 : i32 to vector<16xi32>
    %select_n3A_1299 = arith.select %eq3A_1296, %broadcast_in_dim3A_1298, %broadcast_in_dim3A_1189 : vector<16xi1>, vector<16xi32>
    %min3A_1300 = arith.minsi %min3A_1295, %select_n3A_1299 : vector<16xi32>
    %eq3A_1301 = arith.cmpf oeq, %select_n3A_1259, %max3A_1270 : vector<16xf32>
    %jit3A_1302 = arith.constant 6 : i32
    %broadcast_in_dim3A_1303 = vector.broadcast %jit3A_1302 : i32 to vector<16xi32>
    %select_n3A_1304 = arith.select %eq3A_1301, %broadcast_in_dim3A_1303, %broadcast_in_dim3A_1189 : vector<16xi1>, vector<16xi32>
    %min3A_1305 = arith.minsi %min3A_1300, %select_n3A_1304 : vector<16xi32>
    %eq3A_1306 = arith.cmpf oeq, %select_n3A_1263, %max3A_1270 : vector<16xf32>
    %jit3A_1307 = arith.constant 7 : i32
    %broadcast_in_dim3A_1308 = vector.broadcast %jit3A_1307 : i32 to vector<16xi32>
    %select_n3A_1309 = arith.select %eq3A_1306, %broadcast_in_dim3A_1308, %broadcast_in_dim3A_1189 : vector<16xi1>, vector<16xi32>
    %min3A_1310 = arith.minsi %min3A_1305, %select_n3A_1309 : vector<16xi32>
    %neg3A_1311 = arith.constant 0.000000e+00 : f32
    %neg3A_1312 = vector.broadcast %neg3A_1311 : f32 to vector<16xf32>
    %neg3A_1313 = arith.subf %neg3A_1312, %get3A_1131 : vector<16xf32>
    %exp3A_1314 = math.exp %neg3A_1313 : vector<16xf32>
    %add3A_1315 = arith.constant 1.000000e+00 : f32
    %add3A_1316 = vector.broadcast %add3A_1315 : f32 to vector<16xf32>
    %add3A_1317 = arith.addf %add3A_1316, %exp3A_1314 : vector<16xf32>
    %div3A_1318 = arith.constant 1.000000e+00 : f32
    %div3A_1319 = vector.broadcast %div3A_1318 : f32 to vector<16xf32>
    %div3A_1320 = arith.divf %div3A_1319, %add3A_1317 : vector<16xf32>
    %eq3A_1321 = arith.constant 0 : i32
    %eq3A_1322 = vector.broadcast %eq3A_1321 : i32 to vector<16xi32>
    %eq3A_1323 = arith.cmpi eq, %min3A_1229, %eq3A_1322 : vector<16xi32>
    %eq3A_1324 = arith.constant 0 : i32
    %eq3A_1325 = vector.broadcast %eq3A_1324 : i32 to vector<16xi32>
    %eq3A_1326 = arith.cmpi eq, %min3A_1310, %eq3A_1325 : vector<16xi32>
    %or3A_1327 = arith.ori %eq3A_1323, %eq3A_1326 : vector<16xi1>
    %jit3A_1328 = arith.constant 0.000000e+00 : f32
    %broadcast_in_dim3A_1329 = vector.broadcast %jit3A_1328 : f32 to vector<16xf32>
    %select_n3A_1330 = arith.select %or3A_1327, %div3A_1320, %broadcast_in_dim3A_1329 : vector<16xi1>, vector<16xf32>
    %swap3A_1331 = arith.constant 48 : index
    %swap3A_1332 = tpu.vector_load %arg5[%swap3A_1331] {strides = array<i32>} : memref<512xf32, #tpu.memory_space<vmem>>, vector<16xf32>,
    %swap3A_1333 = vector.shape_cast %swap3A_1332 : vector<16xf32> to vector<16xf32>
    %swap3A_1334 = vector.shape_cast %select_n3A_1330 : vector<16xf32> to vector<16xf32>
    tpu.vector_store %arg5[%swap3A_1331], %swap3A_1334 {strides = array<i32>} : memref<512xf32, #tpu.memory_space<vmem>>, vector<16xf32>,
    %neg3A_1335 = arith.constant 0.000000e+00 : f32
    %neg3A_1336 = vector.broadcast %neg3A_1335 : f32 to vector<16xf32>
    %neg3A_1337 = arith.subf %neg3A_1336, %get3A_1138 : vector<16xf32>
    %exp3A_1338 = math.exp %neg3A_1337 : vector<16xf32>
    %add3A_1339 = arith.constant 1.000000e+00 : f32
    %add3A_1340 = vector.broadcast %add3A_1339 : f32 to vector<16xf32>
    %add3A_1341 = arith.addf %add3A_1340, %exp3A_1338 : vector<16xf32>
    %div3A_1342 = arith.constant 1.000000e+00 : f32
    %div3A_1343 = vector.broadcast %div3A_1342 : f32 to vector<16xf32>
    %div3A_1344 = arith.divf %div3A_1343, %add3A_1341 : vector<16xf32>
    %eq3A_1345 = arith.constant 1 : i32
    %eq3A_1346 = vector.broadcast %eq3A_1345 : i32 to vector<16xi32>
    %eq3A_1347 = arith.cmpi eq, %min3A_1229, %eq3A_1346 : vector<16xi32>
    %eq3A_1348 = arith.constant 1 : i32
    %eq3A_1349 = vector.broadcast %eq3A_1348 : i32 to vector<16xi32>
    %eq3A_1350 = arith.cmpi eq, %min3A_1310, %eq3A_1349 : vector<16xi32>
    %or3A_1351 = arith.ori %eq3A_1347, %eq3A_1350 : vector<16xi1>
    %jit3A_1352 = arith.constant 0.000000e+00 : f32
    %broadcast_in_dim3A_1353 = vector.broadcast %jit3A_1352 : f32 to vector<16xf32>
    %select_n3A_1354 = arith.select %or3A_1351, %div3A_1344, %broadcast_in_dim3A_1353 : vector<16xi1>, vector<16xf32>
    %swap3A_1355 = arith.constant 112 : index
    %swap3A_1356 = tpu.vector_load %arg5[%swap3A_1355] {strides = array<i32>} : memref<512xf32, #tpu.memory_space<vmem>>, vector<16xf32>,
    %swap3A_1357 = vector.shape_cast %swap3A_1356 : vector<16xf32> to vector<16xf32>
    %swap3A_1358 = vector.shape_cast %select_n3A_1354 : vector<16xf32> to vector<16xf32>
    tpu.vector_store %arg5[%swap3A_1355], %swap3A_1358 {strides = array<i32>} : memref<512xf32, #tpu.memory_space<vmem>>, vector<16xf32>,
    %neg3A_1359 = arith.constant 0.000000e+00 : f32
    %neg3A_1360 = vector.broadcast %neg3A_1359 : f32 to vector<16xf32>
    %neg3A_1361 = arith.subf %neg3A_1360, %get3A_1145 : vector<16xf32>
    %exp3A_1362 = math.exp %neg3A_1361 : vector<16xf32>
    %add3A_1363 = arith.constant 1.000000e+00 : f32
    %add3A_1364 = vector.broadcast %add3A_1363 : f32 to vector<16xf32>
    %add3A_1365 = arith.addf %add3A_1364, %exp3A_1362 : vector<16xf32>
    %div3A_1366 = arith.constant 1.000000e+00 : f32
    %div3A_1367 = vector.broadcast %div3A_1366 : f32 to vector<16xf32>
    %div3A_1368 = arith.divf %div3A_1367, %add3A_1365 : vector<16xf32>
    %eq3A_1369 = arith.constant 2 : i32
    %eq3A_1370 = vector.broadcast %eq3A_1369 : i32 to vector<16xi32>
    %eq3A_1371 = arith.cmpi eq, %min3A_1229, %eq3A_1370 : vector<16xi32>
    %eq3A_1372 = arith.constant 2 : i32
    %eq3A_1373 = vector.broadcast %eq3A_1372 : i32 to vector<16xi32>
    %eq3A_1374 = arith.cmpi eq, %min3A_1310, %eq3A_1373 : vector<16xi32>
    %or3A_1375 = arith.ori %eq3A_1371, %eq3A_1374 : vector<16xi1>
    %jit3A_1376 = arith.constant 0.000000e+00 : f32
    %broadcast_in_dim3A_1377 = vector.broadcast %jit3A_1376 : f32 to vector<16xf32>
    %select_n3A_1378 = arith.select %or3A_1375, %div3A_1368, %broadcast_in_dim3A_1377 : vector<16xi1>, vector<16xf32>
    %swap3A_1379 = arith.constant 176 : index
    %swap3A_1380 = tpu.vector_load %arg5[%swap3A_1379] {strides = array<i32>} : memref<512xf32, #tpu.memory_space<vmem>>, vector<16xf32>,
    %swap3A_1381 = vector.shape_cast %swap3A_1380 : vector<16xf32> to vector<16xf32>
    %swap3A_1382 = vector.shape_cast %select_n3A_1378 : vector<16xf32> to vector<16xf32>
    tpu.vector_store %arg5[%swap3A_1379], %swap3A_1382 {strides = array<i32>} : memref<512xf32, #tpu.memory_space<vmem>>, vector<16xf32>,
    %neg3A_1383 = arith.constant 0.000000e+00 : f32
    %neg3A_1384 = vector.broadcast %neg3A_1383 : f32 to vector<16xf32>
    %neg3A_1385 = arith.subf %neg3A_1384, %get3A_1152 : vector<16xf32>
    %exp3A_1386 = math.exp %neg3A_1385 : vector<16xf32>
    %add3A_1387 = arith.constant 1.000000e+00 : f32
    %add3A_1388 = vector.broadcast %add3A_1387 : f32 to vector<16xf32>
    %add3A_1389 = arith.addf %add3A_1388, %exp3A_1386 : vector<16xf32>
    %div3A_1390 = arith.constant 1.000000e+00 : f32
    %div3A_1391 = vector.broadcast %div3A_1390 : f32 to vector<16xf32>
    %div3A_1392 = arith.divf %div3A_1391, %add3A_1389 : vector<16xf32>
    %eq3A_1393 = arith.constant 3 : i32
    %eq3A_1394 = vector.broadcast %eq3A_1393 : i32 to vector<16xi32>
    %eq3A_1395 = arith.cmpi eq, %min3A_1229, %eq3A_1394 : vector<16xi32>
    %eq3A_1396 = arith.constant 3 : i32
    %eq3A_1397 = vector.broadcast %eq3A_1396 : i32 to vector<16xi32>
    %eq3A_1398 = arith.cmpi eq, %min3A_1310, %eq3A_1397 : vector<16xi32>
    %or3A_1399 = arith.ori %eq3A_1395, %eq3A_1398 : vector<16xi1>
    %jit3A_1400 = arith.constant 0.000000e+00 : f32
    %broadcast_in_dim3A_1401 = vector.broadcast %jit3A_1400 : f32 to vector<16xf32>
    %select_n3A_1402 = arith.select %or3A_1399, %div3A_1392, %broadcast_in_dim3A_1401 : vector<16xi1>, vector<16xf32>
    %swap3A_1403 = arith.constant 240 : index
    %swap3A_1404 = tpu.vector_load %arg5[%swap3A_1403] {strides = array<i32>} : memref<512xf32, #tpu.memory_space<vmem>>, vector<16xf32>,
    %swap3A_1405 = vector.shape_cast %swap3A_1404 : vector<16xf32> to vector<16xf32>
    %swap3A_1406 = vector.shape_cast %select_n3A_1402 : vector<16xf32> to vector<16xf32>
    tpu.vector_store %arg5[%swap3A_1403], %swap3A_1406 {strides = array<i32>} : memref<512xf32, #tpu.memory_space<vmem>>, vector<16xf32>,
    %neg3A_1407 = arith.constant 0.000000e+00 : f32
    %neg3A_1408 = vector.broadcast %neg3A_1407 : f32 to vector<16xf32>
    %neg3A_1409 = arith.subf %neg3A_1408, %get3A_1159 : vector<16xf32>
    %exp3A_1410 = math.exp %neg3A_1409 : vector<16xf32>
    %add3A_1411 = arith.constant 1.000000e+00 : f32
    %add3A_1412 = vector.broadcast %add3A_1411 : f32 to vector<16xf32>
    %add3A_1413 = arith.addf %add3A_1412, %exp3A_1410 : vector<16xf32>
    %div3A_1414 = arith.constant 1.000000e+00 : f32
    %div3A_1415 = vector.broadcast %div3A_1414 : f32 to vector<16xf32>
    %div3A_1416 = arith.divf %div3A_1415, %add3A_1413 : vector<16xf32>
    %eq3A_1417 = arith.constant 4 : i32
    %eq3A_1418 = vector.broadcast %eq3A_1417 : i32 to vector<16xi32>
    %eq3A_1419 = arith.cmpi eq, %min3A_1229, %eq3A_1418 : vector<16xi32>
    %eq3A_1420 = arith.constant 4 : i32
    %eq3A_1421 = vector.broadcast %eq3A_1420 : i32 to vector<16xi32>
    %eq3A_1422 = arith.cmpi eq, %min3A_1310, %eq3A_1421 : vector<16xi32>
    %or3A_1423 = arith.ori %eq3A_1419, %eq3A_1422 : vector<16xi1>
    %jit3A_1424 = arith.constant 0.000000e+00 : f32
    %broadcast_in_dim3A_1425 = vector.broadcast %jit3A_1424 : f32 to vector<16xf32>
    %select_n3A_1426 = arith.select %or3A_1423, %div3A_1416, %broadcast_in_dim3A_1425 : vector<16xi1>, vector<16xf32>
    %swap3A_1427 = arith.constant 304 : index
    %swap3A_1428 = tpu.vector_load %arg5[%swap3A_1427] {strides = array<i32>} : memref<512xf32, #tpu.memory_space<vmem>>, vector<16xf32>,
    %swap3A_1429 = vector.shape_cast %swap3A_1428 : vector<16xf32> to vector<16xf32>
    %swap3A_1430 = vector.shape_cast %select_n3A_1426 : vector<16xf32> to vector<16xf32>
    tpu.vector_store %arg5[%swap3A_1427], %swap3A_1430 {strides = array<i32>} : memref<512xf32, #tpu.memory_space<vmem>>, vector<16xf32>,
    %neg3A_1431 = arith.constant 0.000000e+00 : f32
    %neg3A_1432 = vector.broadcast %neg3A_1431 : f32 to vector<16xf32>
    %neg3A_1433 = arith.subf %neg3A_1432, %get3A_1166 : vector<16xf32>
    %exp3A_1434 = math.exp %neg3A_1433 : vector<16xf32>
    %add3A_1435 = arith.constant 1.000000e+00 : f32
    %add3A_1436 = vector.broadcast %add3A_1435 : f32 to vector<16xf32>
    %add3A_1437 = arith.addf %add3A_1436, %exp3A_1434 : vector<16xf32>
    %div3A_1438 = arith.constant 1.000000e+00 : f32
    %div3A_1439 = vector.broadcast %div3A_1438 : f32 to vector<16xf32>
    %div3A_1440 = arith.divf %div3A_1439, %add3A_1437 : vector<16xf32>
    %eq3A_1441 = arith.constant 5 : i32
    %eq3A_1442 = vector.broadcast %eq3A_1441 : i32 to vector<16xi32>
    %eq3A_1443 = arith.cmpi eq, %min3A_1229, %eq3A_1442 : vector<16xi32>
    %eq3A_1444 = arith.constant 5 : i32
    %eq3A_1445 = vector.broadcast %eq3A_1444 : i32 to vector<16xi32>
    %eq3A_1446 = arith.cmpi eq, %min3A_1310, %eq3A_1445 : vector<16xi32>
    %or3A_1447 = arith.ori %eq3A_1443, %eq3A_1446 : vector<16xi1>
    %jit3A_1448 = arith.constant 0.000000e+00 : f32
    %broadcast_in_dim3A_1449 = vector.broadcast %jit3A_1448 : f32 to vector<16xf32>
    %select_n3A_1450 = arith.select %or3A_1447, %div3A_1440, %broadcast_in_dim3A_1449 : vector<16xi1>, vector<16xf32>
    %swap3A_1451 = arith.constant 368 : index
    %swap3A_1452 = tpu.vector_load %arg5[%swap3A_1451] {strides = array<i32>} : memref<512xf32, #tpu.memory_space<vmem>>, vector<16xf32>,
    %swap3A_1453 = vector.shape_cast %swap3A_1452 : vector<16xf32> to vector<16xf32>
    %swap3A_1454 = vector.shape_cast %select_n3A_1450 : vector<16xf32> to vector<16xf32>
    tpu.vector_store %arg5[%swap3A_1451], %swap3A_1454 {strides = array<i32>} : memref<512xf32, #tpu.memory_space<vmem>>, vector<16xf32>,
    %neg3A_1455 = arith.constant 0.000000e+00 : f32
    %neg3A_1456 = vector.broadcast %neg3A_1455 : f32 to vector<16xf32>
    %neg3A_1457 = arith.subf %neg3A_1456, %get3A_1173 : vector<16xf32>
    %exp3A_1458 = math.exp %neg3A_1457 : vector<16xf32>
    %add3A_1459 = arith.constant 1.000000e+00 : f32
    %add3A_1460 = vector.broadcast %add3A_1459 : f32 to vector<16xf32>
    %add3A_1461 = arith.addf %add3A_1460, %exp3A_1458 : vector<16xf32>
    %div3A_1462 = arith.constant 1.000000e+00 : f32
    %div3A_1463 = vector.broadcast %div3A_1462 : f32 to vector<16xf32>
    %div3A_1464 = arith.divf %div3A_1463, %add3A_1461 : vector<16xf32>
    %eq3A_1465 = arith.constant 6 : i32
    %eq3A_1466 = vector.broadcast %eq3A_1465 : i32 to vector<16xi32>
    %eq3A_1467 = arith.cmpi eq, %min3A_1229, %eq3A_1466 : vector<16xi32>
    %eq3A_1468 = arith.constant 6 : i32
    %eq3A_1469 = vector.broadcast %eq3A_1468 : i32 to vector<16xi32>
    %eq3A_1470 = arith.cmpi eq, %min3A_1310, %eq3A_1469 : vector<16xi32>
    %or3A_1471 = arith.ori %eq3A_1467, %eq3A_1470 : vector<16xi1>
    %jit3A_1472 = arith.constant 0.000000e+00 : f32
    %broadcast_in_dim3A_1473 = vector.broadcast %jit3A_1472 : f32 to vector<16xf32>
    %select_n3A_1474 = arith.select %or3A_1471, %div3A_1464, %broadcast_in_dim3A_1473 : vector<16xi1>, vector<16xf32>
    %swap3A_1475 = arith.constant 432 : index
    %swap3A_1476 = tpu.vector_load %arg5[%swap3A_1475] {strides = array<i32>} : memref<512xf32, #tpu.memory_space<vmem>>, vector<16xf32>,
    %swap3A_1477 = vector.shape_cast %swap3A_1476 : vector<16xf32> to vector<16xf32>
    %swap3A_1478 = vector.shape_cast %select_n3A_1474 : vector<16xf32> to vector<16xf32>
    tpu.vector_store %arg5[%swap3A_1475], %swap3A_1478 {strides = array<i32>} : memref<512xf32, #tpu.memory_space<vmem>>, vector<16xf32>,
    %neg3A_1479 = arith.constant 0.000000e+00 : f32
    %neg3A_1480 = vector.broadcast %neg3A_1479 : f32 to vector<16xf32>
    %neg3A_1481 = arith.subf %neg3A_1480, %get3A_1180 : vector<16xf32>
    %exp3A_1482 = math.exp %neg3A_1481 : vector<16xf32>
    %add3A_1483 = arith.constant 1.000000e+00 : f32
    %add3A_1484 = vector.broadcast %add3A_1483 : f32 to vector<16xf32>
    %add3A_1485 = arith.addf %add3A_1484, %exp3A_1482 : vector<16xf32>
    %div3A_1486 = arith.constant 1.000000e+00 : f32
    %div3A_1487 = vector.broadcast %div3A_1486 : f32 to vector<16xf32>
    %div3A_1488 = arith.divf %div3A_1487, %add3A_1485 : vector<16xf32>
    %eq3A_1489 = arith.constant 7 : i32
    %eq3A_1490 = vector.broadcast %eq3A_1489 : i32 to vector<16xi32>
    %eq3A_1491 = arith.cmpi eq, %min3A_1229, %eq3A_1490 : vector<16xi32>
    %eq3A_1492 = arith.constant 7 : i32
    %eq3A_1493 = vector.broadcast %eq3A_1492 : i32 to vector<16xi32>
    %eq3A_1494 = arith.cmpi eq, %min3A_1310, %eq3A_1493 : vector<16xi32>
    %or3A_1495 = arith.ori %eq3A_1491, %eq3A_1494 : vector<16xi1>
    %jit3A_1496 = arith.constant 0.000000e+00 : f32
    %broadcast_in_dim3A_1497 = vector.broadcast %jit3A_1496 : f32 to vector<16xf32>
    %select_n3A_1498 = arith.select %or3A_1495, %div3A_1488, %broadcast_in_dim3A_1497 : vector<16xi1>, vector<16xf32>
    %swap3A_1499 = arith.constant 496 : index
    %swap3A_1500 = tpu.vector_load %arg5[%swap3A_1499] {strides = array<i32>} : memref<512xf32, #tpu.memory_space<vmem>>, vector<16xf32>,
    %swap3A_1501 = vector.shape_cast %swap3A_1500 : vector<16xf32> to vector<16xf32>
    %swap3A_1502 = vector.shape_cast %select_n3A_1498 : vector<16xf32> to vector<16xf32>
    tpu.vector_store %arg5[%swap3A_1499], %swap3A_1502 {strides = array<i32>} : memref<512xf32, #tpu.memory_space<vmem>>, vector<16xf32>,
    "tpu.region"() ({
      %run_scoped3A = tpu.sem_alloc : memref<!tpu.dma_semaphore, #tpu.memory_space<semaphore_mem>>
      %dma_start3A = arith.constant 0 : i32
      %dma_start3A_1503 = tpu.memref_slice %arg3[%add3A, %dma_start3A] : memref<32x512xf32, #tpu.memory_space<hbm>> -> memref<1x512xf32, #tpu.memory_space<hbm>>
      %dma_start3A_1504 = tpu.memref_squeeze %dma_start3A_1503 : memref<1x512xf32, #tpu.memory_space<hbm>> -> memref<512xf32, #tpu.memory_space<hbm>>
      %dma_start3A_1505 = arith.constant 0 : i32
      %dma_start3A_1506 = tpu.memref_slice %arg3[%add3A, %dma_start3A_1505] : memref<32x512xf32, #tpu.memory_space<hbm>> -> memref<1x512xf32, #tpu.memory_space<hbm>>
      %dma_start3A_1507 = tpu.memref_squeeze %dma_start3A_1506 : memref<1x512xf32, #tpu.memory_space<hbm>> -> memref<512xf32, #tpu.memory_space<hbm>>
      tpu.enqueue_dma source(%arg5 : memref<512xf32, #tpu.memory_space<vmem>>) target(%dma_start3A_1507 : memref<512xf32, #tpu.memory_space<hbm>>) target_semaphore(%run_scoped3A : memref<!tpu.dma_semaphore, #tpu.memory_space<semaphore_mem>>)
      %dma_wait3A = arith.constant 0 : i32
      %dma_wait3A_1508 = tpu.memref_slice %arg3[%add3A, %dma_wait3A] : memref<32x512xf32, #tpu.memory_space<hbm>> -> memref<1x512xf32, #tpu.memory_space<hbm>>
      %dma_wait3A_1509 = tpu.memref_squeeze %dma_wait3A_1508 : memref<1x512xf32, #tpu.memory_space<hbm>> -> memref<512xf32, #tpu.memory_space<hbm>>
      %dma_wait3A_1510 = arith.constant 0 : i32
      %dma_wait3A_1511 = tpu.memref_slice %arg3[%add3A, %dma_wait3A_1510] : memref<32x512xf32, #tpu.memory_space<hbm>> -> memref<1x512xf32, #tpu.memory_space<hbm>>
      %dma_wait3A_1512 = tpu.memref_squeeze %dma_wait3A_1511 : memref<1x512xf32, #tpu.memory_space<hbm>> -> memref<512xf32, #tpu.memory_space<hbm>>
      tpu.wait_dma2 semaphore(%run_scoped3A : memref<!tpu.dma_semaphore, #tpu.memory_space<semaphore_mem>>) src(%arg5 : memref<512xf32, #tpu.memory_space<vmem>>) dst(%dma_wait3A_1512 : memref<512xf32, #tpu.memory_space<hbm>>)
      tpu.yield
    }) : () -> ()
    return
  }
}

module attributes {stable_mosaic.version = 14 : i64} {
  func.func @_moe_body(%arg0: i32, %arg1: i32, %arg2: memref<2048x1024xf32, #tpu.memory_space<vmem>>, %arg3: memref<1024x128xbf16, #tpu.memory_space<vmem>>, %arg4: memref<1x1024x512xf32, #tpu.memory_space<vmem>>, %arg5: memref<1x1024x512xf32, #tpu.memory_space<vmem>>, %arg6: memref<1024x2048xf32, #tpu.memory_space<vmem>>, %arg7: memref<1024x2048xf32, #tpu.memory_space<vmem>>, %arg8: memref<1x512x1024xf32, #tpu.memory_space<vmem>>, %arg9: memref<2048x1024xf32, #tpu.memory_space<vmem>>, %arg10: memref<256x1024xf32, #tpu.memory_space<vmem>>) attributes {dimension_semantics = [#tpu.dimension_semantics<parallel>, #tpu.dimension_semantics<arbitrary>], iteration_bounds = array<i64: 8, 4>, scalar_prefetch = 0 : i64, scratch_operands = 0 : i64, tpu.core_type = #tpu.core_type<tc>, window_params = [{pipeline_mode = #tpu.pipeline_mode<synchronous>, transform_indices = @transform_0, window_bounds = array<i64: 2048, 1024>}, {pipeline_mode = #tpu.pipeline_mode<synchronous>, transform_indices = @transform_1, window_bounds = array<i64: 1024, 128>}, {transform_indices = @transform_2, window_bounds = array<i64: 1, 1024, 512>}, {transform_indices = @transform_3, window_bounds = array<i64: 1, 1024, 512>}, {pipeline_mode = #tpu.pipeline_mode<synchronous>, transform_indices = @transform_4, window_bounds = array<i64: 1024, 2048>}, {pipeline_mode = #tpu.pipeline_mode<synchronous>, transform_indices = @transform_5, window_bounds = array<i64: 1024, 2048>}, {transform_indices = @transform_6, window_bounds = array<i64: 1, 512, 1024>}, {pipeline_mode = #tpu.pipeline_mode<synchronous>, transform_indices = @transform_7, window_bounds = array<i64: 2048, 1024>}, {transform_indices = @transform_8, window_bounds = array<i64: 256, 1024>}]} {
    %mul3A = arith.constant 256 : i32
    %mul3A_0 = arith.muli %arg0, %mul3A : i32
    %mul3A_1 = arith.constant 512 : i32
    %mul3A_2 = arith.muli %arg1, %mul3A_1 : i32
    %get3A = arith.index_cast %mul3A_0 : i32 to index
    %get3A_3 = arith.constant 0 : index
    %get3A_4 = vector.load %arg2[%get3A, %get3A_3] : memref<2048x1024xf32, #tpu.memory_space<vmem>>, vector<256x1024xf32>
    %convert_element_type3A = arith.truncf %get3A_4 : vector<256x1024xf32> to vector<256x1024xbf16>
    %get3A_5 = arith.constant 0 : index
    %get3A_6 = arith.constant 0 : index
    %get3A_7 = vector.load %arg3[%get3A_5, %get3A_6] : memref<1024x128xbf16, #tpu.memory_space<vmem>>, vector<1024x128xbf16>
    %dot_general3A = arith.constant dense<0.000000e+00> : vector<256x128xf32>
    %dot_general3A_8 = tpu.matmul %convert_element_type3A, %get3A_7, %dot_general3A {dimension_numbers = #tpu.dot_dimension_numbers<[1], [0], [0], [1], [0, 0, 1, 1], [], []>, transpose_lhs_hint = false} : vector<256x1024xbf16>, vector<1024x128xbf16>, vector<256x128xf32> -> vector<256x128xf32>
    %iota3A = tpu.iota {dimensions = array<i32: 1>} : vector<256x128xi32>
    %lt3A = arith.constant 8 : i32
    %lt3A_9 = vector.broadcast %lt3A : i32 to vector<256x128xi32>
    %lt3A_10 = arith.cmpi slt, %iota3A, %lt3A_9 : vector<256x128xi32>
    %jit3A = arith.constant 0xFF800000 : f32
    %broadcast_in_dim3A = vector.broadcast %jit3A : f32 to vector<256x128xf32>
    %select_n3A = arith.select %lt3A_10, %dot_general3A_8, %broadcast_in_dim3A : vector<256x128xi1>, vector<256x128xf32>
    %reduce_max3A = arith.constant dense<0xFF800000> : vector<256xf32>
    %reduce_max3A_11 = vector.multi_reduction <maximumf>, %select_n3A, %reduce_max3A [1] : vector<256x128xf32> to vector<256xf32>
    %broadcast_in_dim3A_12 = vector.shape_cast %reduce_max3A_11 : vector<256xf32> to vector<256x1xf32>
    %eq3A = vector.broadcast %broadcast_in_dim3A_12 : vector<256x1xf32> to vector<256x128xf32>
    %eq3A_13 = arith.cmpf oeq, %select_n3A, %eq3A : vector<256x128xf32>
    %jit3A_14 = arith.constant 128 : i32
    %broadcast_in_dim3A_15 = vector.broadcast %jit3A_14 : i32 to vector<256x128xi32>
    %select_n3A_16 = arith.select %eq3A_13, %iota3A, %broadcast_in_dim3A_15 : vector<256x128xi1>, vector<256x128xi32>
    %reduce_min3A = arith.constant dense<2147483647> : vector<256xi32>
    %reduce_min3A_17 = vector.multi_reduction <minsi>, %select_n3A_16, %reduce_min3A [1] : vector<256x128xi32> to vector<256xi32>
    %broadcast_in_dim3A_18 = vector.shape_cast %reduce_min3A_17 : vector<256xi32> to vector<256x1xi32>
    %eq3A_19 = vector.broadcast %broadcast_in_dim3A_18 : vector<256x1xi32> to vector<256x128xi32>
    %eq3A_20 = arith.cmpi eq, %iota3A, %eq3A_19 : vector<256x128xi32>
    %jit3A_21 = arith.constant 0xFF800000 : f32
    %broadcast_in_dim3A_22 = vector.broadcast %jit3A_21 : f32 to vector<256x128xf32>
    %select_n3A_23 = arith.select %eq3A_20, %broadcast_in_dim3A_22, %select_n3A : vector<256x128xi1>, vector<256x128xf32>
    %reduce_max3A_24 = arith.constant dense<0xFF800000> : vector<256xf32>
    %reduce_max3A_25 = vector.multi_reduction <maximumf>, %select_n3A_23, %reduce_max3A_24 [1] : vector<256x128xf32> to vector<256xf32>
    %broadcast_in_dim3A_26 = vector.shape_cast %reduce_max3A_25 : vector<256xf32> to vector<256x1xf32>
    %logistic3A = arith.negf %broadcast_in_dim3A_12 : vector<256x1xf32>
    %logistic3A_27 = math.exp %logistic3A : vector<256x1xf32>
    %logistic3A_28 = arith.constant 1.000000e+00 : f32
    %logistic3A_29 = vector.broadcast %logistic3A_28 : f32 to vector<256x1xf32>
    %logistic3A_30 = arith.addf %logistic3A_29, %logistic3A_27 : vector<256x1xf32>
    %logistic3A_31 = arith.divf %logistic3A_29, %logistic3A_30 : vector<256x1xf32>
    %logistic3A_32 = arith.negf %broadcast_in_dim3A_26 : vector<256x1xf32>
    %logistic3A_33 = math.exp %logistic3A_32 : vector<256x1xf32>
    %logistic3A_34 = arith.constant 1.000000e+00 : f32
    %logistic3A_35 = vector.broadcast %logistic3A_34 : f32 to vector<256x1xf32>
    %logistic3A_36 = arith.addf %logistic3A_35, %logistic3A_33 : vector<256x1xf32>
    %logistic3A_37 = arith.divf %logistic3A_35, %logistic3A_36 : vector<256x1xf32>
    %get3A_38 = arith.constant 0 : index
    %get3A_39 = arith.constant 0 : index
    %get3A_40 = arith.constant 0 : index
    %get3A_41 = vector.load %arg4[%get3A_38, %get3A_39, %get3A_40] : memref<1x1024x512xf32, #tpu.memory_space<vmem>>, vector<1x1024x512xf32>
    %get3A_42 = vector.shape_cast %get3A_41 : vector<1x1024x512xf32> to vector<1024x512xf32>
    %convert_element_type3A_43 = arith.truncf %get3A_42 : vector<1024x512xf32> to vector<1024x512xbf16>
    %dot_general3A_44 = arith.constant dense<0.000000e+00> : vector<256x512xf32>
    %dot_general3A_45 = tpu.matmul %convert_element_type3A, %convert_element_type3A_43, %dot_general3A_44 {dimension_numbers = #tpu.dot_dimension_numbers<[1], [0], [0], [1], [0, 0, 1, 1], [], []>, transpose_lhs_hint = false} : vector<256x1024xbf16>, vector<1024x512xbf16>, vector<256x512xf32> -> vector<256x512xf32>
    %get3A_46 = arith.constant 0 : index
    %get3A_47 = arith.constant 0 : index
    %get3A_48 = arith.constant 0 : index
    %get3A_49 = vector.load %arg5[%get3A_46, %get3A_47, %get3A_48] : memref<1x1024x512xf32, #tpu.memory_space<vmem>>, vector<1x1024x512xf32>
    %get3A_50 = vector.shape_cast %get3A_49 : vector<1x1024x512xf32> to vector<1024x512xf32>
    %convert_element_type3A_51 = arith.truncf %get3A_50 : vector<1024x512xf32> to vector<1024x512xbf16>
    %dot_general3A_52 = arith.constant dense<0.000000e+00> : vector<256x512xf32>
    %dot_general3A_53 = tpu.matmul %convert_element_type3A, %convert_element_type3A_51, %dot_general3A_52 {dimension_numbers = #tpu.dot_dimension_numbers<[1], [0], [0], [1], [0, 0, 1, 1], [], []>, transpose_lhs_hint = false} : vector<256x1024xbf16>, vector<1024x512xbf16>, vector<256x512xf32> -> vector<256x512xf32>
    %get3A_54 = arith.constant 0 : index
    %get3A_55 = arith.index_cast %mul3A_2 : i32 to index
    %get3A_56 = vector.load %arg6[%get3A_54, %get3A_55] : memref<1024x2048xf32, #tpu.memory_space<vmem>>, vector<1024x512xf32>
    %convert_element_type3A_57 = arith.truncf %get3A_56 : vector<1024x512xf32> to vector<1024x512xbf16>
    %dot_general3A_58 = arith.constant dense<0.000000e+00> : vector<256x512xf32>
    %dot_general3A_59 = tpu.matmul %convert_element_type3A, %convert_element_type3A_57, %dot_general3A_58 {dimension_numbers = #tpu.dot_dimension_numbers<[1], [0], [0], [1], [0, 0, 1, 1], [], []>, transpose_lhs_hint = false} : vector<256x1024xbf16>, vector<1024x512xbf16>, vector<256x512xf32> -> vector<256x512xf32>
    %get3A_60 = arith.constant 0 : index
    %get3A_61 = arith.index_cast %mul3A_2 : i32 to index
    %get3A_62 = vector.load %arg7[%get3A_60, %get3A_61] : memref<1024x2048xf32, #tpu.memory_space<vmem>>, vector<1024x512xf32>
    %convert_element_type3A_63 = arith.truncf %get3A_62 : vector<1024x512xf32> to vector<1024x512xbf16>
    %dot_general3A_64 = arith.constant dense<0.000000e+00> : vector<256x512xf32>
    %dot_general3A_65 = tpu.matmul %convert_element_type3A, %convert_element_type3A_63, %dot_general3A_64 {dimension_numbers = #tpu.dot_dimension_numbers<[1], [0], [0], [1], [0, 0, 1, 1], [], []>, transpose_lhs_hint = false} : vector<256x1024xbf16>, vector<1024x512xbf16>, vector<256x512xf32> -> vector<256x512xf32>
    %mul3A_66 = vector.broadcast %logistic3A_31 : vector<256x1xf32> to vector<256x512xf32>
    %mul3A_67 = arith.mulf %mul3A_66, %dot_general3A_45 : vector<256x512xf32>
    %mul3A_68 = vector.broadcast %logistic3A_37 : vector<256x1xf32> to vector<256x512xf32>
    %mul3A_69 = arith.mulf %mul3A_68, %dot_general3A_45 : vector<256x512xf32>
    %mul3A_70 = vector.broadcast %logistic3A_31 : vector<256x1xf32> to vector<256x512xf32>
    %mul3A_71 = arith.mulf %mul3A_70, %dot_general3A_53 : vector<256x512xf32>
    %logistic3A_72 = arith.negf %mul3A_67 : vector<256x512xf32>
    %logistic3A_73 = math.exp %logistic3A_72 : vector<256x512xf32>
    %logistic3A_74 = arith.constant 1.000000e+00 : f32
    %logistic3A_75 = vector.broadcast %logistic3A_74 : f32 to vector<256x512xf32>
    %logistic3A_76 = arith.addf %logistic3A_75, %logistic3A_73 : vector<256x512xf32>
    %logistic3A_77 = arith.divf %logistic3A_75, %logistic3A_76 : vector<256x512xf32>
    %mul3A_78 = arith.mulf %mul3A_67, %logistic3A_77 : vector<256x512xf32>
    %mul3A_79 = arith.mulf %mul3A_71, %mul3A_78 : vector<256x512xf32>
    %mul3A_80 = vector.broadcast %logistic3A_37 : vector<256x1xf32> to vector<256x512xf32>
    %mul3A_81 = arith.mulf %mul3A_80, %dot_general3A_53 : vector<256x512xf32>
    %logistic3A_82 = arith.negf %mul3A_69 : vector<256x512xf32>
    %logistic3A_83 = math.exp %logistic3A_82 : vector<256x512xf32>
    %logistic3A_84 = arith.constant 1.000000e+00 : f32
    %logistic3A_85 = vector.broadcast %logistic3A_84 : f32 to vector<256x512xf32>
    %logistic3A_86 = arith.addf %logistic3A_85, %logistic3A_83 : vector<256x512xf32>
    %logistic3A_87 = arith.divf %logistic3A_85, %logistic3A_86 : vector<256x512xf32>
    %mul3A_88 = arith.mulf %mul3A_69, %logistic3A_87 : vector<256x512xf32>
    %mul3A_89 = arith.mulf %mul3A_81, %mul3A_88 : vector<256x512xf32>
    %add3A = arith.addf %mul3A_79, %mul3A_89 : vector<256x512xf32>
    %logistic3A_90 = arith.negf %dot_general3A_59 : vector<256x512xf32>
    %logistic3A_91 = math.exp %logistic3A_90 : vector<256x512xf32>
    %logistic3A_92 = arith.constant 1.000000e+00 : f32
    %logistic3A_93 = vector.broadcast %logistic3A_92 : f32 to vector<256x512xf32>
    %logistic3A_94 = arith.addf %logistic3A_93, %logistic3A_91 : vector<256x512xf32>
    %logistic3A_95 = arith.divf %logistic3A_93, %logistic3A_94 : vector<256x512xf32>
    %mul3A_96 = arith.mulf %dot_general3A_59, %logistic3A_95 : vector<256x512xf32>
    %mul3A_97 = arith.mulf %dot_general3A_65, %mul3A_96 : vector<256x512xf32>
    %convert_element_type3A_98 = arith.truncf %add3A : vector<256x512xf32> to vector<256x512xbf16>
    %get3A_99 = arith.constant 0 : index
    %get3A_100 = arith.constant 0 : index
    %get3A_101 = arith.constant 0 : index
    %get3A_102 = vector.load %arg8[%get3A_99, %get3A_100, %get3A_101] : memref<1x512x1024xf32, #tpu.memory_space<vmem>>, vector<1x512x1024xf32>
    %get3A_103 = vector.shape_cast %get3A_102 : vector<1x512x1024xf32> to vector<512x1024xf32>
    %convert_element_type3A_104 = arith.truncf %get3A_103 : vector<512x1024xf32> to vector<512x1024xbf16>
    %dot_general3A_105 = arith.constant dense<0.000000e+00> : vector<256x1024xf32>
    %dot_general3A_106 = tpu.matmul %convert_element_type3A_98, %convert_element_type3A_104, %dot_general3A_105 {dimension_numbers = #tpu.dot_dimension_numbers<[1], [0], [0], [1], [0, 0, 1, 1], [], []>, transpose_lhs_hint = false} : vector<256x512xbf16>, vector<512x1024xbf16>, vector<256x1024xf32> -> vector<256x1024xf32>
    %convert_element_type3A_107 = arith.truncf %mul3A_97 : vector<256x512xf32> to vector<256x512xbf16>
    %get3A_108 = arith.index_cast %mul3A_2 : i32 to index
    %get3A_109 = arith.constant 0 : index
    %get3A_110 = vector.load %arg9[%get3A_108, %get3A_109] : memref<2048x1024xf32, #tpu.memory_space<vmem>>, vector<512x1024xf32>
    %convert_element_type3A_111 = arith.truncf %get3A_110 : vector<512x1024xf32> to vector<512x1024xbf16>
    %dot_general3A_112 = arith.constant dense<0.000000e+00> : vector<256x1024xf32>
    %dot_general3A_113 = tpu.matmul %convert_element_type3A_107, %convert_element_type3A_111, %dot_general3A_112 {dimension_numbers = #tpu.dot_dimension_numbers<[1], [0], [0], [1], [0, 0, 1, 1], [], []>, transpose_lhs_hint = false} : vector<256x512xbf16>, vector<512x1024xbf16>, vector<256x1024xf32> -> vector<256x1024xf32>
    %add3A_114 = arith.addf %dot_general3A_106, %dot_general3A_113 : vector<256x1024xf32>
    %eq3A_115 = arith.constant 0 : i32
    %eq3A_116 = arith.cmpi eq, %arg1, %eq3A_115 : i32
    %convert_element_type3A_117 = arith.extui %eq3A_116 : i1 to i32
    %cond3A = arith.constant 0 : i32
    %cond3A_118 = arith.cmpi ne, %convert_element_type3A_117, %cond3A : i32
    scf.if %cond3A_118 {
      %swap3A = arith.constant 0 : index
      %swap3A_123 = arith.constant 0 : index
      %swap3A_124 = vector.load %arg10[%swap3A, %swap3A_123] : memref<256x1024xf32, #tpu.memory_space<vmem>>, vector<256x1024xf32>
      tpu.vector_store %arg10[%swap3A, %swap3A_123], %add3A_114 {strides = array<i32>} : memref<256x1024xf32, #tpu.memory_space<vmem>>, vector<256x1024xf32>,
    } else {
    }
    %gt3A = arith.constant 0 : i32
    %gt3A_119 = arith.cmpi sgt, %arg1, %gt3A : i32
    %convert_element_type3A_120 = arith.extui %gt3A_119 : i1 to i32
    %cond3A_121 = arith.constant 0 : i32
    %cond3A_122 = arith.cmpi ne, %convert_element_type3A_120, %cond3A_121 : i32
    scf.if %cond3A_122 {
      %get3A_123 = arith.constant 0 : index
      %get3A_124 = arith.constant 0 : index
      %get3A_125 = vector.load %arg10[%get3A_123, %get3A_124] : memref<256x1024xf32, #tpu.memory_space<vmem>>, vector<256x1024xf32>
      %add3A_126 = arith.addf %get3A_125, %add3A_114 : vector<256x1024xf32>
      %swap3A = arith.constant 0 : index
      %swap3A_127 = arith.constant 0 : index
      %swap3A_128 = vector.load %arg10[%swap3A, %swap3A_127] : memref<256x1024xf32, #tpu.memory_space<vmem>>, vector<256x1024xf32>
      tpu.vector_store %arg10[%swap3A, %swap3A_127], %add3A_126 {strides = array<i32>} : memref<256x1024xf32, #tpu.memory_space<vmem>>, vector<256x1024xf32>,
    } else {
    }
    return
  }
  func.func @transform_0(%arg0: i32, %arg1: i32) -> (i32, i32) {
    %c0_i32 = arith.constant 0 : i32
    %c0_i32_0 = arith.constant 0 : i32
    %c0_i32_1 = arith.constant 0 : i32
    return %c0_i32, %c0_i32_0 : i32, i32
  }
  func.func @transform_1(%arg0: i32, %arg1: i32) -> (i32, i32) {
    %c0_i32 = arith.constant 0 : i32
    %c0_i32_0 = arith.constant 0 : i32
    %c0_i32_1 = arith.constant 0 : i32
    return %c0_i32, %c0_i32_0 : i32, i32
  }
  func.func @transform_2(%arg0: i32, %arg1: i32) -> (i32, i32, i32) {
    %c0_i32 = arith.constant 0 : i32
    %c0_i32_0 = arith.constant 0 : i32
    return %arg0, %c0_i32, %arg1 : i32, i32, i32
  }
  func.func @transform_3(%arg0: i32, %arg1: i32) -> (i32, i32, i32) {
    %add3A = arith.constant 4 : i32
    %add3A_0 = arith.addi %arg1, %add3A : i32
    %c0_i32 = arith.constant 0 : i32
    %c0_i32_1 = arith.constant 0 : i32
    return %arg0, %c0_i32, %add3A_0 : i32, i32, i32
  }
  func.func @transform_4(%arg0: i32, %arg1: i32) -> (i32, i32) {
    %c0_i32 = arith.constant 0 : i32
    %c0_i32_0 = arith.constant 0 : i32
    %c0_i32_1 = arith.constant 0 : i32
    return %c0_i32, %c0_i32_0 : i32, i32
  }
  func.func @transform_5(%arg0: i32, %arg1: i32) -> (i32, i32) {
    %c0_i32 = arith.constant 0 : i32
    %c0_i32_0 = arith.constant 0 : i32
    %c0_i32_1 = arith.constant 0 : i32
    return %c0_i32, %c0_i32_0 : i32, i32
  }
  func.func @transform_6(%arg0: i32, %arg1: i32) -> (i32, i32, i32) {
    %c0_i32 = arith.constant 0 : i32
    %c0_i32_0 = arith.constant 0 : i32
    return %arg0, %arg1, %c0_i32 : i32, i32, i32
  }
  func.func @transform_7(%arg0: i32, %arg1: i32) -> (i32, i32) {
    %c0_i32 = arith.constant 0 : i32
    %c0_i32_0 = arith.constant 0 : i32
    %c0_i32_1 = arith.constant 0 : i32
    return %c0_i32, %c0_i32_0 : i32, i32
  }
  func.func @transform_8(%arg0: i32, %arg1: i32) -> (i32, i32) {
    %c0_i32 = arith.constant 0 : i32
    %c0_i32_0 = arith.constant 0 : i32
    return %arg0, %c0_i32 : i32, i32
  }
}

</mosaic_0001>

<sc_bundles>
// kernel: kernel.4.cloned.1.call-start
scs
__scs_entry_jumppad:
0x0: {  	(pc) =	sbr.rel $0x88, $3  }
0x1: {  	(tag) =	ssettag $0x0;
	lr =	simm.s32 $0x1  }
0x2: {  	[smem:$0x3F9A] =	sst lr;
	_ =	strace $0xD0000000  }
0x3: {  	_ = 	snop  }
0x4: {  	_ = 	snop  }
0x5: {  	_ = 	snop  }
0x6: {  	_ = 	snop  }
0x7: {  	_ = 	snop  }
__scs_overlays_trampoline_lowered:
0x8: {  	[smem:$0x3FA9] =	sst s0  }
0x9: {  	[smem:$0x3FAA] =	sst s1  }
0xa: {  	[smem:$0x3FAB] =	sst s2  }
0xb: {  	[smem:$0x3FAC] =	sst s3  }
0xc: {  	[smem:$0x3FAD] =	sst s4  }
0xd: {  	[smem:$0x3FAE] =	sst s5  }
0xe: {  	[smem:$0x3FAF] =	sst s6  }
0xf: {  	[smem:$0x3FB0] =	sst s7  }
0x10: {  	[smem:$0x3FB1] =	sst s8  }
0x11: {  	[smem:$0x3FB2] =	sst s9;
	s0 =	simm.s32 @!p0 $0x0  }
0x12: {  	s1 =	sld [smem:$0x3F98];
	s0 =	simm.s32 @p0 $0x1  }
0x13: {  	[smem:$0x3FB3] =	sst s0;
	s0 =	simm.s32 @!p1 $0x0  }
0x14: {  	s2 =	sld [smem:$0x3F97];
	s0 =	simm.s32 @p1 $0x1  }
0x15: {  	[smem:$0x3FB4] =	sst s0;
	s0 =	simm.s32 @!p2 $0x0  }
0x16: {  	s3 =	sld [smem:$0x3FDB];
	s0 =	simm.s32 @p2 $0x1  }
0x17: {  	s4 =	simm.s32 $0x1BF5;
	[smem:$0x3FB6] =	sst s0  }
0x18: {  	s0 =	sld [smem:$0x3F99];
	_ =	swait.ge [sflag:s4], $0x0  }
0x19: {  	s7 =	sld [smem:$0x3F9A]  }
0x1a: {  	s8 =	sadd.s32 $0xFFFFE003, lr  }
0x1b: {  	s9 =	sadd.s32 $0xFFFFFEF7, lr;
	s5 =	simm.s32 $0xFFFFFFFF;
	p2 =	slt.u32 s8, $0xFFFFF086  }
0x1c: {  	p1 =	slt.u32 s9, $0xF7A;
	s5 =	simm.s32 @!p2 $0x0  }
0x1d: {  	s5 =	simm.s32 @p1 $0x1;
	p0 =	seq.s32 s7, s2  }
0x1e: {  	s7 =	smul.u32 @!p0 $0xF7A, s2;
	p2 =	seq.s32 @!p0 s5, $0x0  }
0x1f: {  	s9 =	smul.u32 $0xF7A, s1;
	s8 =	simm.s32 @!p0 $0x1BF5;
	p2 =	por !p2, p0  }
0x20: {  	[sflag:s8] =	ssyncset.s32 @!p0 $0xFFFFF086;
	s6 =	sadd.s32 @!p0 s3, s7;
	s7 =	simm.s32 @!p0 $0x108  }
0x21: {  	s3 =	sadd.s32 s3, s9;
	s6 =	sadd.s32 @!p0 $0x88, s6;
	s7 =	simm.s32 @p2 $0x1082  }
0x22: {  	[simem:s7], [sflag:s8] =	dma.local @!p0 [hbm:s6], $0xF7A  }
0x23: {  	s9 =	sor.u32 $0xD0000000, s2;
	s6 =	simm.s32 $0x108;
	_ =	swait.ge @!p0 [sflag:s8], $0x0  }
0x24: {  	s3 =	sadd.s32 $0x88, s3;
	s6 =	simm.s32 @!p1 $0x1082;
	[sflag:s4] =	ssyncset.s32 $0xFFFFF086  }
0x25: {  	[simem:s6], [sflag:s4] =	dma.local [hbm:s3], $0xF7A  }
0x26: {  	[smem:$0x3F9A] =	sst s1;
	(tag) =	ssettag s2;
	_ =	strace s9  }
0x27: {  	s1 =	sld [smem:$0x3FAA]  }
0x28: {  	s2 =	sld [smem:$0x3FAB]  }
0x29: {  	s4 =	sld [smem:$0x3FAD]  }
0x2a: {  	p0 =	seq.s32 s5, $0x0;
	s5 =	sld [smem:$0x3FAE]  }
0x2b: {  	s6 =	sld [smem:$0x3FAF]  }
0x2c: {  	s7 =	sld [smem:$0x3FB0]  }
0x2d: {  	s3 =	simm.s32 $0x108;
	s8 =	sld [smem:$0x3FB1]  }
0x2e: {  	s3 =	simm.s32 @!p0 $0x1082;
	s9 =	sld [smem:$0x3FB2]  }
0x2f: {  	lr =	sadd.s32 s0, s3;
	s0 =	sld [smem:$0x3FA9]  }
0x30: {  	s3 =	sld [smem:$0x3FAC]  }
0x31: {  	[smem:$0x3FB5] =	sst s10  }
0x32: {  	s10 =	sld [smem:$0x3FB3];
	_ =	sdelay $0x3  }
0x33: {  	p0 =	seq.s32 s10, $0x1;
	s10 =	sld [smem:$0x3FB5];
	_ =	sdelay $0x3  }
0x34: {  	[smem:$0x3FB5] =	sst s10  }
0x35: {  	s10 =	sld [smem:$0x3FB4];
	_ =	sdelay $0x3  }
0x36: {  	p1 =	seq.s32 s10, $0x1;
	s10 =	sld [smem:$0x3FB5];
	_ =	sdelay $0x3  }
0x37: {  	[smem:$0x3FB5] =	sst s10  }
0x38: {  	s10 =	sld [smem:$0x3FB6]  }
0x39: {  	_ = 	snop;
	(pc) =	sbr.ind lr, $3  }
0x3a: {  	_ = 	snop  }
0x3b: {  	_ = 	snop  }
0x3c: {  	p2 =	seq.s32 s10, $0x1;
	s10 =	sld [smem:$0x3FB5]  }
0x3d: {  	_ =	shalt  }
0x3e: {  	_ =	shalt  }
0x3f: {  	_ =	shalt  }
0x40: {  	_ =	shalt  }
0x41: {  	_ =	shalt  }
0x42: {  	_ =	shalt  }
0x43: {  	_ =	shalt  }
0x44: {  	_ =	shalt  }
0x45: {  	_ =	shalt  }
0x46: {  	_ =	shalt  }
0x47: {  	_ =	shalt  }
0x48: {  	_ =	shalt  }
0x49: {  	_ =	shalt  }
0x4a: {  	_ =	shalt  }
0x4b: {  	_ =	shalt  }
0x4c: {  	_ =	shalt  }
0x4d: {  	_ =	shalt  }
0x4e: {  	_ =	shalt  }
0x4f: {  	_ =	shalt  }
0x50: {  	_ =	shalt  }
0x51: {  	_ =	shalt  }
0x52: {  	_ =	shalt  }
0x53: {  	_ =	shalt  }
0x54: {  	_ =	shalt  }
0x55: {  	_ =	shalt  }
0x56: {  	_ =	shalt  }
0x57: {  	_ =	shalt  }
0x58: {  	_ =	shalt  }
0x59: {  	_ =	shalt  }
0x5a: {  	_ =	shalt  }
0x5b: {  	_ =	shalt  }
0x5c: {  	_ =	shalt  }
0x5d: {  	_ =	shalt  }
0x5e: {  	_ =	shalt  }
0x5f: {  	_ =	shalt  }
0x60: {  	_ =	shalt  }
0x61: {  	_ =	shalt  }
0x62: {  	_ =	shalt  }
0x63: {  	_ =	shalt  }
0x64: {  	_ =	shalt  }
0x65: {  	_ =	shalt  }
0x66: {  	_ =	shalt  }
0x67: {  	_ =	shalt  }
0x68: {  	_ =	shalt  }
0x69: {  	_ =	shalt  }
0x6a: {  	_ =	shalt  }
0x6b: {  	_ =	shalt  }
0x6c: {  	_ =	shalt  }
0x6d: {  	_ =	shalt  }
0x6e: {  	_ =	shalt  }
0x6f: {  	_ =	shalt  }
0x70: {  	_ =	shalt  }
0x71: {  	_ =	shalt  }
0x72: {  	_ =	shalt  }
0x73: {  	_ =	shalt  }
0x74: {  	_ =	shalt  }
0x75: {  	_ =	shalt  }
0x76: {  	_ =	shalt  }
0x77: {  	_ =	shalt  }
0x78: {  	_ =	shalt  }
0x79: {  	_ =	shalt  }
0x7a: {  	_ =	shalt  }
0x7b: {  	_ =	shalt  }
0x7c: {  	_ =	shalt  }
0x7d: {  	_ =	shalt  }
0x7e: {  	_ =	shalt  }
0x7f: {  	_ =	shalt  }
0x80: {  	_ =	shalt  }
0x81: {  	_ =	shalt  }
0x82: {  	_ =	shalt  }
0x83: {  	_ =	shalt  }
0x84: {  	_ =	shalt  }
0x85: {  	_ =	shalt  }
0x86: {  	_ =	shalt  }
0x87: {  	_ =	shalt  }
.Lfunc_end0:
.L_simem_size_0:
called_computation_lowered:
.L_overlay_start_0:
0x88: {  	s2 =	sld [smem:$0x3FD9]  }
0x89: {  	s3 =	sld [smem:$0x3FFE];
	_ =	sdelay $0x1  }
0x8a: {  	s1 =	srdreg.scid  }
0x8b: {  	s0 =	sand.u32 $0x1, s1  }
0x8c: {  	s14 =	sshll.u32 s0, $0xA;
	s2 =	sadd.s32 s3, s2  }
0x8d: {  	s2 =	sadd.s32 s2, s14  }
0x8e: {  	[smem:$0x3FC1] =	sst s2  }
0x8f: {  	_ = 	snop  }
0x90: {  	s2 =	sld [smem:$0x3FD0];
	_ =	sdelay $0x2  }
0x91: {  	s15 =	simm.s32 $0xA;
	s4 =	simm.s32 $0x10  }
0x92: {  	[smem:s4], [sflag:s15] =	dma.local [hbm:s2], $0x1  }
0x93: {  	_ =	swait.eq [sflag:s15], $0x1  }
0x94: {  	[sflag:s15] =	ssyncset.done $0x0  }
0x95: {  	[sflag:s15] =	ssyncadd.s32 $0xFFFFFFFF  }
0x96: {  	s16 =	sld [smem:$0x11];
	(tm) =	ssettm $0x1  }
0x97: {  	s17 =	sld [smem:$0x3FFB];
	_ =	sdelay $0x3  }
0x98: {  	_ =	strace s17  }
0x99: {  	s3 =	sld [smem:$0x3FFC];
	_ =	sdelay $0x3  }
0x9a: {  	_ =	strace s3  }
0x9b: {  	s3 =	sld [smem:$0x3FFD];
	_ =	sdelay $0x3  }
0x9c: {  	_ =	strace s3  }
0x9d: {  	_ =	strace $0x8FFFFFFF  }
0x9e: {  	s18 =	sld [smem:$0x3FDB];
	_ =	sdelay $0x1  }
0x9f: {  	s19 =	simm.s32 $_scs_section_size  }
0xa0: {  	s5 =	simm.s32 $_size__tile_overlayer_lowered;
	s6 =	simm.s32 $_tile_overlayer_lowered  }
0xa1: {  	s22 =	simm.s32 $0x1BFF;
	s21 =	sshll.u32 s6, $0x1;
	s3 =	sadd.s32 s19, s18  }
0xa2: {  	s7 =	simm.s32 $0x0;
	s20 =	sshll.u32 s5, $0x1;
	s5 =	sadd.s32 s21, s3  }
0xa3: {  	[timem:s7], [sflag:s22] =	dma.local [hbm:s5], s20  }
0xa4: {  	_ =	swait.ge [sflag:s22], s20  }
0xa5: {  	s4 =	ssub.s32 $0x0, s20;
	[sflag:s22] =	ssyncset.done $0x0  }
0xa6: {  	[sflag:s22] =	ssyncadd.s32 s4;
	_ =	sdelay $0x1  }
0xa7: {  	s23 =	simm.s32 $0x1B8B  }
0xa8: {  	_ =	swait.ge [sflag:s23], $0x1  }
0xa9: {  	[sflag:s23] =	ssyncset.done $0x0  }
0xaa: {  	s25 =	simm.s32 $0x1B8E;
	s24 =	sld [smem:$0x3FFE];
	[sflag:s23] =	ssyncadd.s32 $0xFFFFFFFF  }
0xab: {  	s26 =	simm.s32 $execute0_lowered;
	[smem:$0x3FD2] =	sst s25  }
0xac: {  	s5 =	sshll.u32 s26, $0x1;
	_ =	strace $0x80000046;
	[dreg:$0x1] =	wrdreg $0xFFFFFFFF  }
0xad: {  	s28 =	simm.s32 $_size_execute0_lowered;
	s3 =	sadd.s32 s3, s5;
	[dreg:$0x0] =	wrdreg $0x0  }
0xae: {  	s5 =	sshll.u32 s28, $0x1;
	[dreg:$0x2] =	wrdreg s3  }
0xaf: {  	[dreg:$0x3] =	wrdreg s5  }
0xb0: {  	[dreg:$0x4] =	wrdreg $0xC0  }
0xb1: {  	_ =	task [dreg:s7], $0x5FFFF  }
0xb2: {  	[dreg:$0x1] =	wrdreg $0xFFFFFFFF  }
0xb3: {  	[dreg:$0x0] =	wrdreg $0x60  }
0xb4: {  	[dreg:$0x2] =	wrdreg s16  }
0xb5: {  	[dreg:$0x3] =	wrdreg s24  }
0xb6: {  	[dreg:$0x4] =	wrdreg $0x9  }
0xb7: {  	_ =	task.clear_ibuf [dreg:s7], $0x5FFFF;
	_ =	strace $0x90000046  }
0xb8: {  	s29 =	simm.s32 $0x9;
	_ =	strace $0x80000048  }
0xb9: {  	_ =	swait.ge [sflag:s29], $0x1  }
0xba: {  	[sflag:s29] =	ssyncadd.s32 $0xFFFFFFFF  }
0xbb: {  	_ =	strace $0x90000048  }
0xbc: {  	_ =	sfence  }
0xbd: {  	s30 =	sld [smem:$0x0];
	_ =	sdelay $0x2  }
0xbe: {  	s31 =	sshll.u32 s1, $0xD;
	s1 =	sshrl.u32 s1, $0x2  }
0xbf: {  	s3 =	sand.u32 $0x4000, s31;
	s1 =	sadd.s32 s1, s30  }
0xc0: {  	s0 =	sor.u32 s3, s0;
	s1 =	sshll.u32 s1, $0x11  }
0xc1: {  	s0 =	sor.u32 s1, s0  }
0xc2: {  	s0 =	sadd.s32 $0x8F2B, s0  }
0xc3: {  	[sflag:s0] =	ssyncadd.remote.s32 $0x1  }
0xc4: {  	_ =	sfence.sel $0xFFFF  }
0xc5: {  	[dreg:$0x0] =	wrdreg $0xFFFFFFFF;
	(pc) =	sbr.abs _section_cstart, $3  }
0xc6: {  	[dreg:$0x1] =	wrdreg $0xFFFFFFFF  }
0xc7: {  	_ =	task.clear_ibuf [dreg:s7], $0x2FFFF;
	_ =	strace $0x9FFFFFFF  }
0xc8: {  	(tm) =	ssettm $0x7FFFFFFF  }
0xc9: {  	_ =	shalt  }
tec
execute0_lowered:
.L_overlay_start_1:
0x0: {  	(tag) =	ssettag $0x1  }
0x1: {  	s1 =	rddreg [dreg:$0x0]  }
0x2: {  	s5 =	rddreg [dreg:$0x1]  }
0x3: {  	s0 =	rddreg [dreg:$0x2];
	s3 =	simm.s32 $0x0  }
0x4: {  	s2 =	stileid.u32;
	s4 =	srdreg.scid;
	s15 =	simm.s32 $0x80  }
0x5: {  	s16 =	simm.s32 $0x400;
	s17 =	simm.s32 $0x4000;
	[smem:$0x7FF] =	sst s3  }
0x6: {  	s4 =	sand.u32 $0x1, s4;
	s6 =	sshll.u32 s2, $0x1;
	s7 =	sshll.u32 s2, $0x7  }
0x7: {  	_ =	strace $0x80000047;
	s8 =	ssub.s32 $0x2, s4;
	s9 =	sor.u32 s4, s6  }
0x8: {  	s30 =	sand.u32 $0x600, s7;
	s31 =	sshrl.u32 s8, $0x1;
	s4 =	sshll.u32 s9, $0x6  }
0x9: {  	s12 =	sadd.s32 s30, s5;
	s10 =	sshll.u32 s9, $0x4;
	s13 =	ssub.s32 s8, s31  }
0xa: {  	s5 =	sor.u32 $0x800, s4;
	s6 =	sor.u32 $0x1000, s4;
	s7 =	sor.u32 $0x1800, s4  }
0xb: {  	s8 =	sor.u32 $0x2000, s4;
	s9 =	sor.u32 $0x2800, s4;
	s14 =	sand.u32 $0x70, s10  }
0xc: {  	s10 =	sor.u32 $0x3000, s4;
	s11 =	sor.u32 $0x3800, s4;
	s12 =	sadd.s32 s14, s12  }
0xd: {  	v0 =	vimm.s32 $0x63;
	s13 =	smax.u32 s13, $0x1;
	s14 =	simm.s32 $0x1;
	s12 =	sadd.s32 $0xA00, s12  }
.LBB2_1:
0xe: {  	[tilespmem:s3], [sflag:$0x1] =	stream.linear.gather [hbm4b:s1+s3], $0x4000, $0x38;
	[tilespmem:$0x4200] =	vst v63  }
0xf: {  	_ =	swait.ge [sflag:s14], $0x4000  }
0x10: {  	[sflag:s14] =	ssyncset.done $0x0  }
0x11: {  	[sflag:s14] =	ssyncadd.s32 $0xFFFFC000  }
0x12: {  	v1 =	vld [tilespmem:s4+$0x0];
	_ =	sdelay $0x4  }
0x13: {  	v2 =	vsub.f32 $0.0e+00, v1;
	_ =	sdelay $0x1  }
0x14: {  	v2 =	vmul.f32 $1.442695020e+00, v2;
	_ =	sdelay $0x1  }
0x15: {  	(erf) = vpow2.f32 v2;
	_ =	sdelay $0x3  }
0x16: {  	v2 =	vld [tilespmem:s5+$0x0];
	_ =	sdelay $0x4  }
0x17: {  	v4 =	vsub.f32 $0.0e+00, v2;
	v3 =	vpop (erf)  }
0x18: {  	v3 =	vadd.f32 $1.000000000e+00, v3  }
0x19: {  	v4 =	vmul.f32 $1.442695020e+00, v4  }
0x1a: {  	(erf) = vrcp.f32 v3  }
0x1b: {  	(erf) = vpow2.f32 v4;
	_ =	sdelay $0x3  }
0x1c: {  	v3 =	vld [tilespmem:s6+$0x0];
	_ =	sdelay $0x3  }
0x1d: {  	v26 =	vpop (erf)  }
0x1e: {  	v6 =	vsub.f32 $0.0e+00, v3;
	v5 =	vpop (erf)  }
0x1f: {  	v5 =	vadd.f32 $1.000000000e+00, v5  }
0x20: {  	v6 =	vmul.f32 $1.442695020e+00, v6  }
0x21: {  	(erf) = vrcp.f32 v5  }
0x22: {  	(erf) = vpow2.f32 v6;
	_ =	sdelay $0x3  }
0x23: {  	v27 =	vld [tilespmem:s7+$0x0];
	_ =	sdelay $0x3  }
0x24: {  	v28 =	vpop (erf)  }
0x25: {  	v8 =	vsub.f32 $0.0e+00, v27;
	v7 =	vpop (erf)  }
0x26: {  	v7 =	vadd.f32 $1.000000000e+00, v7  }
0x27: {  	v8 =	vmul.f32 $1.442695020e+00, v8  }
0x28: {  	(erf) = vrcp.f32 v7  }
0x29: {  	(erf) = vpow2.f32 v8;
	_ =	sdelay $0x3  }
0x2a: {  	v29 =	vld [tilespmem:s8+$0x0];
	_ =	sdelay $0x3  }
0x2b: {  	v30 =	vpop (erf)  }
0x2c: {  	v10 =	vsub.f32 $0.0e+00, v29;
	v9 =	vpop (erf)  }
0x2d: {  	v9 =	vadd.f32 $1.000000000e+00, v9  }
0x2e: {  	v10 =	vmul.f32 $1.442695020e+00, v10  }
0x2f: {  	(erf) = vrcp.f32 v9  }
0x30: {  	(erf) = vpow2.f32 v10;
	_ =	sdelay $0x3  }
0x31: {  	v31 =	vld [tilespmem:s9+$0x0];
	_ =	sdelay $0x3  }
0x32: {  	v32 =	vpop (erf)  }
0x33: {  	v12 =	vsub.f32 $0.0e+00, v31;
	v11 =	vpop (erf)  }
0x34: {  	v11 =	vadd.f32 $1.000000000e+00, v11  }
0x35: {  	v12 =	vmul.f32 $1.442695020e+00, v12  }
0x36: {  	(erf) = vrcp.f32 v11  }
0x37: {  	(erf) = vpow2.f32 v12;
	_ =	sdelay $0x3  }
0x38: {  	v33 =	vld [tilespmem:s10+$0x0];
	_ =	sdelay $0x2  }
0x39: {  	v34 =	vmax.f32 v1, v2  }
0x3a: {  	v13 =	vld [tilespmem:s11+$0x0];
	v12 =	vmax.f32 v34, v3;
	v14 =	vpop (erf)  }
0x3b: {  	v16 =	vsub.f32 $0.0e+00, v33;
	v12 =	vmax.f32 v12, v27;
	v15 =	vpop (erf)  }
0x3c: {  	v12 =	vmax.f32 v12, v29;
	v15 =	vadd.f32 $1.000000000e+00, v15  }
0x3d: {  	v16 =	vmul.f32 $1.442695020e+00, v16;
	v12 =	vmax.f32 v12, v31  }
0x3e: {  	v12 =	vmax.f32 v12, v33;
	(erf) = vrcp.f32 v15  }
0x3f: {  	v12 =	vmax.f32 v12, v13;
	(erf) = vpow2.f32 v16  }
0x40: {  	vm0 =	veq.f32 v13, v12  }
0x41: {  	vm1 =	veq.f32 v33, v12;
	v35 =	vsel vm0, $0x7, v0  }
0x42: {  	vm7 =	veq.f32 v31, v12;
	v15 =	vsel vm1, $0x6, v35  }
0x43: {  	v17 =	vsub.f32 $0.0e+00, v13;
	vm8 =	veq.f32 v29, v12;
	v15 =	vsel vm7, $0x5, v15  }
0x44: {  	vm9 =	veq.f32 v27, v12;
	vm10 =	veq.f32 v3, v12;
	v15 =	vsel vm8, $0x4, v15  }
0x45: {  	vm2 =	veq.f32 v2, v12;
	vm11 =	vne.f32 v1, v12;
	v15 =	vsel vm9, $0x3, v15  }
0x46: {  	vm0 =	veq.f32 v1, v12;
	vm4 =	vmand vm11, vm2;
	v15 =	vsel vm10, $0x2, v15  }
0x47: {  	v1 =	vsel vm0, $0xFF800000, v1;
	v2 =	vsel vm4, $0xFF800000, v2;
	v15 =	vsel vm2, $0x1, v15;
	v37 =	vpop (erf)  }
0x48: {  	v17 =	vmul.f32 $1.442695020e+00, v17;
	v38 =	vmax.f32 v1, v2;
	v36 =	vsel vm0, $0x0, v15;
	v16 =	vpop (erf)  }
0x49: {  	vm5 =	veq.s32 v36, $0x2;
	vm2 =	veq.s32 v36, $0x3;
	v16 =	vadd.f32 $1.000000000e+00, v16  }
0x4a: {  	vm6 =	veq.s32 v36, $0x4;
	vm7 =	veq.s32 v36, $0x5;
	v3 =	vsel vm5, $0xFF800000, v3  }
0x4b: {  	v5 =	vsel vm2, $0xFF800000, v27;
	(erf) = vrcp.f32 v16;
	v16 =	vmax.f32 v38, v3  }
0x4c: {  	vm3 =	veq.s32 v36, $0x6;
	v7 =	vsel vm6, $0xFF800000, v29;
	v16 =	vmax.f32 v16, v5  }
0x4d: {  	v9 =	vsel vm7, $0xFF800000, v31;
	(erf) = vpow2.f32 v17;
	v16 =	vmax.f32 v16, v7  }
0x4e: {  	vm1 =	veq.s32 v36, $0x7;
	v11 =	vsel vm3, $0xFF800000, v33;
	v39 =	vmax.f32 v16, v9  }
0x4f: {  	v13 =	vsel vm1, $0xFF800000, v13;
	v12 =	vmax.f32 v39, v11  }
0x50: {  	v12 =	vmax.f32 v12, v13  }
0x51: {  	vm8 =	veq.f32 v13, v12  }
0x52: {  	vm9 =	veq.f32 v11, v12;
	v40 =	vsel vm8, $0x7, v0  }
0x53: {  	vm12 =	veq.f32 v9, v12;
	v41 =	vsel vm9, $0x6, v40  }
0x54: {  	vm13 =	veq.f32 v7, v12;
	v43 =	vsel vm12, $0x5, v41  }
0x55: {  	vm14 =	veq.f32 v5, v12;
	v42 =	vpop (erf);
	v45 =	vsel vm13, $0x4, v43  }
0x56: {  	vm15 =	veq.f32 v3, v12;
	vm10 =	veq.f32 v1, v12;
	v44 =	vpop (erf);
	v3 =	vsel vm14, $0x3, v45  }
0x57: {  	vm12 =	veq.f32 v2, v12;
	v46 =	vadd.f32 $1.000000000e+00, v44;
	v2 =	vsel vm15, $0x2, v3  }
0x58: {  	vm0 =	vmor vm0, vm10;
	vm13 =	vne.f32 v1, v12;
	v1 =	vsel vm12, $0x1, v2  }
0x59: {  	vm8 =	vmand vm13, vm12;
	(erf) = vrcp.f32 v46;
	v1 =	vsel vm10, $0x0, v1  }
0x5a: {  	vm14 =	vmor vm4, vm8;
	v2 =	vnsel vm0, $0x0, v26;
	vm15 =	veq.s32 v1, $0x2  }
0x5b: {  	[tilespmem:$0x4000] =	vst v2;
	v2 =	vnsel vm14, $0x0, v28;
	vm9 =	veq.s32 v1, $0x3;
	vm8 =	vmor vm5, vm15  }
0x5c: {  	[tilespmem:$0x4040] =	vst v2;
	vm11 =	veq.s32 v1, $0x4;
	vm10 =	vmor vm2, vm9;
	v2 =	vnsel vm8, $0x0, v30  }
0x5d: {  	vm13 =	veq.s32 v1, $0x5;
	vm12 =	vmor vm6, vm11;
	[tilespmem:$0x4080] =	vst v2;
	v2 =	vnsel vm10, $0x0, v32  }
0x5e: {  	vm14 =	vmor vm7, vm13;
	[tilespmem:$0x40C0] =	vst v2;
	v2 =	vnsel vm12, $0x0, v14  }
0x5f: {  	[tilespmem:$0x4100] =	vst v2;
	v2 =	vnsel vm14, $0x0, v37  }
0x60: {  	vm15 =	veq.s32 v1, $0x6  }
0x61: {  	vm5 =	veq.s32 v1, $0x7;
	vm4 =	vmor vm3, vm15  }
0x62: {  	vm6 =	vmor vm1, vm5;
	v1 =	vnsel vm4, $0x0, v42;
	[tilespmem:$0x4140] =	vst v2;
	v2 =	vpop (erf)  }
0x63: {  	[tilespmem:$0x4180] =	vst v1;
	v1 =	vnsel vm6, $0x0, v2  }
0x64: {  	[tilespmem:$0x41C0] =	vst v1  }
0x65: {  	v1 =	vld [tilespmem:s4+$0x10];
	_ =	sdelay $0x4  }
0x66: {  	v2 =	vsub.f32 $0.0e+00, v1;
	_ =	sdelay $0x1  }
0x67: {  	v2 =	vmul.f32 $1.442695020e+00, v2;
	_ =	sdelay $0x1  }
0x68: {  	(erf) = vpow2.f32 v2;
	_ =	sdelay $0x3  }
0x69: {  	v2 =	vld [tilespmem:s4+$0x810];
	_ =	sdelay $0x4  }
0x6a: {  	v47 =	vsub.f32 $0.0e+00, v2;
	v3 =	vpop (erf)  }
0x6b: {  	v3 =	vadd.f32 $1.000000000e+00, v3  }
0x6c: {  	v4 =	vmul.f32 $1.442695020e+00, v47  }
0x6d: {  	(erf) = vrcp.f32 v3  }
0x6e: {  	(erf) = vpow2.f32 v4;
	_ =	sdelay $0x3  }
0x6f: {  	v3 =	vld [tilespmem:s4+$0x1010];
	_ =	sdelay $0x3  }
0x70: {  	v48 =	vpop (erf)  }
0x71: {  	v50 =	vsub.f32 $0.0e+00, v3;
	v49 =	vpop (erf)  }
0x72: {  	v5 =	vadd.f32 $1.000000000e+00, v49  }
0x73: {  	v6 =	vmul.f32 $1.442695020e+00, v50  }
0x74: {  	(erf) = vrcp.f32 v5  }
0x75: {  	(erf) = vpow2.f32 v6;
	_ =	sdelay $0x3  }
0x76: {  	v51 =	vld [tilespmem:s4+$0x1810];
	_ =	sdelay $0x3  }
0x77: {  	v52 =	vpop (erf)  }
0x78: {  	v54 =	vsub.f32 $0.0e+00, v51;
	v53 =	vpop (erf)  }
0x79: {  	v7 =	vadd.f32 $1.000000000e+00, v53  }
0x7a: {  	v8 =	vmul.f32 $1.442695020e+00, v54  }
0x7b: {  	(erf) = vrcp.f32 v7  }
0x7c: {  	(erf) = vpow2.f32 v8;
	_ =	sdelay $0x3  }
0x7d: {  	v55 =	vld [tilespmem:s4+$0x2010];
	_ =	sdelay $0x3  }
0x7e: {  	v56 =	vpop (erf)  }
0x7f: {  	v58 =	vsub.f32 $0.0e+00, v55;
	v57 =	vpop (erf)  }
0x80: {  	v9 =	vadd.f32 $1.000000000e+00, v57  }
0x81: {  	v10 =	vmul.f32 $1.442695020e+00, v58  }
0x82: {  	(erf) = vrcp.f32 v9  }
0x83: {  	(erf) = vpow2.f32 v10;
	_ =	sdelay $0x3  }
0x84: {  	v59 =	vld [tilespmem:s4+$0x2810];
	_ =	sdelay $0x3  }
0x85: {  	v60 =	vpop (erf)  }
0x86: {  	v62 =	vsub.f32 $0.0e+00, v59;
	v61 =	vpop (erf)  }
0x87: {  	v11 =	vadd.f32 $1.000000000e+00, v61  }
0x88: {  	v12 =	vmul.f32 $1.442695020e+00, v62  }
0x89: {  	(erf) = vrcp.f32 v11  }
0x8a: {  	(erf) = vpow2.f32 v12;
	_ =	sdelay $0x3  }
0x8b: {  	v63 =	vld [tilespmem:s4+$0x3010];
	_ =	sdelay $0x2  }
0x8c: {  	v20 =	vmax.f32 v1, v2  }
0x8d: {  	v21 =	vld [tilespmem:s4+$0x3810];
	v12 =	vmax.f32 v20, v3;
	v22 =	vpop (erf)  }
0x8e: {  	v24 =	vsub.f32 $0.0e+00, v63;
	v12 =	vmax.f32 v12, v51;
	v23 =	vpop (erf)  }
0x8f: {  	v12 =	vmax.f32 v12, v55;
	v15 =	vadd.f32 $1.000000000e+00, v23  }
0x90: {  	v16 =	vmul.f32 $1.442695020e+00, v24;
	v12 =	vmax.f32 v12, v59  }
0x91: {  	v12 =	vmax.f32 v12, v63;
	(erf) = vrcp.f32 v15  }
0x92: {  	v12 =	vmax.f32 v12, v21;
	(erf) = vpow2.f32 v16  }
0x93: {  	vm7 =	veq.f32 v21, v12  }
0x94: {  	vm8 =	veq.f32 v63, v12;
	v25 =	vsel vm7, $0x7, v0  }
0x95: {  	vm9 =	veq.f32 v59, v12;
	v15 =	vsel vm8, $0x6, v25  }
0x96: {  	v28 =	vsub.f32 $0.0e+00, v21;
	vm10 =	veq.f32 v55, v12;
	v15 =	vsel vm9, $0x5, v15  }
0x97: {  	vm11 =	veq.f32 v51, v12;
	vm12 =	veq.f32 v3, v12;
	v15 =	vsel vm10, $0x4, v15  }
0x98: {  	vm13 =	veq.f32 v2, v12;
	vm14 =	vne.f32 v1, v12;
	v15 =	vsel vm11, $0x3, v15  }
0x99: {  	vm0 =	veq.f32 v1, v12;
	vm4 =	vmand vm14, vm13;
	v15 =	vsel vm12, $0x2, v15  }
0x9a: {  	v1 =	vsel vm0, $0xFF800000, v1;
	v2 =	vsel vm4, $0xFF800000, v2;
	v15 =	vsel vm13, $0x1, v15;
	v27 =	vpop (erf)  }
0x9b: {  	v17 =	vmul.f32 $1.442695020e+00, v28;
	v29 =	vmax.f32 v1, v2;
	v26 =	vsel vm0, $0x0, v15;
	v16 =	vpop (erf)  }
0x9c: {  	vm5 =	veq.s32 v26, $0x2;
	vm2 =	veq.s32 v26, $0x3;
	v16 =	vadd.f32 $1.000000000e+00, v16  }
0x9d: {  	vm6 =	veq.s32 v26, $0x4;
	vm7 =	veq.s32 v26, $0x5;
	v3 =	vsel vm5, $0xFF800000, v3  }
0x9e: {  	v5 =	vsel vm2, $0xFF800000, v51;
	(erf) = vrcp.f32 v16;
	v16 =	vmax.f32 v29, v3  }
0x9f: {  	vm3 =	veq.s32 v26, $0x6;
	v7 =	vsel vm6, $0xFF800000, v55;
	v16 =	vmax.f32 v16, v5  }
0xa0: {  	v9 =	vsel vm7, $0xFF800000, v59;
	(erf) = vpow2.f32 v17;
	v16 =	vmax.f32 v16, v7  }
0xa1: {  	vm1 =	veq.s32 v26, $0x7;
	v11 =	vsel vm3, $0xFF800000, v63;
	v30 =	vmax.f32 v16, v9  }
0xa2: {  	v13 =	vsel vm1, $0xFF800000, v21;
	v12 =	vmax.f32 v30, v11  }
0xa3: {  	v12 =	vmax.f32 v12, v13  }
0xa4: {  	vm15 =	veq.f32 v13, v12  }
0xa5: {  	vm12 =	veq.f32 v11, v12;
	v31 =	vsel vm15, $0x7, v0  }
0xa6: {  	vm13 =	veq.f32 v9, v12;
	v32 =	vsel vm12, $0x6, v31  }
0xa7: {  	vm14 =	veq.f32 v7, v12;
	v34 =	vsel vm13, $0x5, v32  }
0xa8: {  	vm15 =	veq.f32 v5, v12;
	v33 =	vpop (erf);
	v36 =	vsel vm14, $0x4, v34  }
0xa9: {  	vm12 =	veq.f32 v3, v12;
	vm13 =	veq.f32 v2, v12;
	v35 =	vpop (erf);
	v3 =	vsel vm15, $0x3, v36  }
0xaa: {  	vm14 =	vne.f32 v1, v12;
	v37 =	vadd.f32 $1.000000000e+00, v35;
	v2 =	vsel vm12, $0x2, v3  }
0xab: {  	vm15 =	veq.f32 v1, v12;
	vm8 =	vmand vm14, vm13;
	v1 =	vsel vm13, $0x1, v2  }
0xac: {  	vm0 =	vmor vm0, vm15;
	(erf) = vrcp.f32 v37;
	v1 =	vsel vm15, $0x0, v1  }
0xad: {  	vm12 =	vmor vm4, vm8;
	v2 =	vnsel vm0, $0x0, v48;
	vm13 =	veq.s32 v1, $0x2  }
0xae: {  	[tilespmem:$0x4010] =	vst v2;
	v2 =	vnsel vm12, $0x0, v52;
	vm15 =	veq.s32 v1, $0x3;
	vm14 =	vmor vm5, vm13  }
0xaf: {  	[tilespmem:$0x4050] =	vst v2;
	vm9 =	veq.s32 v1, $0x4;
	vm8 =	vmor vm2, vm15;
	v2 =	vnsel vm14, $0x0, v56  }
0xb0: {  	vm11 =	veq.s32 v1, $0x5;
	vm10 =	vmor vm6, vm9;
	[tilespmem:$0x4090] =	vst v2;
	v2 =	vnsel vm8, $0x0, v60  }
0xb1: {  	vm12 =	vmor vm7, vm11;
	[tilespmem:$0x40D0] =	vst v2;
	v2 =	vnsel vm10, $0x0, v22  }
0xb2: {  	[tilespmem:$0x4110] =	vst v2;
	v2 =	vnsel vm12, $0x0, v27  }
0xb3: {  	vm13 =	veq.s32 v1, $0x6  }
0xb4: {  	vm15 =	veq.s32 v1, $0x7;
	vm14 =	vmor vm3, vm13  }
0xb5: {  	vm4 =	vmor vm1, vm15;
	v1 =	vnsel vm14, $0x0, v33;
	[tilespmem:$0x4150] =	vst v2;
	v2 =	vpop (erf)  }
0xb6: {  	[tilespmem:$0x4190] =	vst v1;
	v1 =	vnsel vm4, $0x0, v2  }
0xb7: {  	[tilespmem:$0x41D0] =	vst v1  }
0xb8: {  	v1 =	vld [tilespmem:s4+$0x20];
	_ =	sdelay $0x4  }
0xb9: {  	v2 =	vsub.f32 $0.0e+00, v1;
	_ =	sdelay $0x1  }
0xba: {  	v2 =	vmul.f32 $1.442695020e+00, v2;
	_ =	sdelay $0x1  }
0xbb: {  	(erf) = vpow2.f32 v2;
	_ =	sdelay $0x3  }
0xbc: {  	v2 =	vld [tilespmem:s4+$0x820];
	_ =	sdelay $0x4  }
0xbd: {  	v38 =	vsub.f32 $0.0e+00, v2;
	v3 =	vpop (erf)  }
0xbe: {  	v3 =	vadd.f32 $1.000000000e+00, v3  }
0xbf: {  	v4 =	vmul.f32 $1.442695020e+00, v38  }
0xc0: {  	(erf) = vrcp.f32 v3  }
0xc1: {  	(erf) = vpow2.f32 v4;
	_ =	sdelay $0x3  }
0xc2: {  	v3 =	vld [tilespmem:s4+$0x1020];
	_ =	sdelay $0x3  }
0xc3: {  	v39 =	vpop (erf)  }
0xc4: {  	v41 =	vsub.f32 $0.0e+00, v3;
	v40 =	vpop (erf)  }
0xc5: {  	v5 =	vadd.f32 $1.000000000e+00, v40  }
0xc6: {  	v6 =	vmul.f32 $1.442695020e+00, v41  }
0xc7: {  	(erf) = vrcp.f32 v5  }
0xc8: {  	(erf) = vpow2.f32 v6;
	_ =	sdelay $0x3  }
0xc9: {  	v42 =	vld [tilespmem:s4+$0x1820];
	_ =	sdelay $0x3  }
0xca: {  	v43 =	vpop (erf)  }
0xcb: {  	v45 =	vsub.f32 $0.0e+00, v42;
	v44 =	vpop (erf)  }
0xcc: {  	v7 =	vadd.f32 $1.000000000e+00, v44  }
0xcd: {  	v8 =	vmul.f32 $1.442695020e+00, v45  }
0xce: {  	(erf) = vrcp.f32 v7  }
0xcf: {  	(erf) = vpow2.f32 v8;
	_ =	sdelay $0x3  }
0xd0: {  	v46 =	vld [tilespmem:s4+$0x2020];
	_ =	sdelay $0x3  }
0xd1: {  	v47 =	vpop (erf)  }
0xd2: {  	v49 =	vsub.f32 $0.0e+00, v46;
	v48 =	vpop (erf)  }
0xd3: {  	v9 =	vadd.f32 $1.000000000e+00, v48  }
0xd4: {  	v10 =	vmul.f32 $1.442695020e+00, v49  }
0xd5: {  	(erf) = vrcp.f32 v9  }
0xd6: {  	(erf) = vpow2.f32 v10;
	_ =	sdelay $0x3  }
0xd7: {  	v50 =	vld [tilespmem:s4+$0x2820];
	_ =	sdelay $0x3  }
0xd8: {  	v51 =	vpop (erf)  }
0xd9: {  	v53 =	vsub.f32 $0.0e+00, v50;
	v52 =	vpop (erf)  }
0xda: {  	v11 =	vadd.f32 $1.000000000e+00, v52  }
0xdb: {  	v12 =	vmul.f32 $1.442695020e+00, v53  }
0xdc: {  	(erf) = vrcp.f32 v11  }
0xdd: {  	(erf) = vpow2.f32 v12;
	_ =	sdelay $0x3  }
0xde: {  	v54 =	vld [tilespmem:s4+$0x3020];
	_ =	sdelay $0x2  }
0xdf: {  	v55 =	vmax.f32 v1, v2  }
0xe0: {  	v56 =	vld [tilespmem:s4+$0x3820];
	v12 =	vmax.f32 v55, v3;
	v57 =	vpop (erf)  }
0xe1: {  	v59 =	vsub.f32 $0.0e+00, v54;
	v12 =	vmax.f32 v12, v42;
	v58 =	vpop (erf)  }
0xe2: {  	v12 =	vmax.f32 v12, v46;
	v15 =	vadd.f32 $1.000000000e+00, v58  }
0xe3: {  	v16 =	vmul.f32 $1.442695020e+00, v59;
	v12 =	vmax.f32 v12, v50  }
0xe4: {  	v12 =	vmax.f32 v12, v54;
	(erf) = vrcp.f32 v15  }
0xe5: {  	v12 =	vmax.f32 v12, v56;
	(erf) = vpow2.f32 v16  }
0xe6: {  	vm5 =	veq.f32 v56, v12  }
0xe7: {  	vm6 =	veq.f32 v54, v12;
	v60 =	vsel vm5, $0x7, v0  }
0xe8: {  	vm7 =	veq.f32 v50, v12;
	v15 =	vsel vm6, $0x6, v60  }
0xe9: {  	v63 =	vsub.f32 $0.0e+00, v56;
	vm8 =	veq.f32 v46, v12;
	v15 =	vsel vm7, $0x5, v15  }
0xea: {  	vm9 =	veq.f32 v42, v12;
	vm10 =	veq.f32 v3, v12;
	v15 =	vsel vm8, $0x4, v15  }
0xeb: {  	vm11 =	veq.f32 v2, v12;
	vm12 =	vne.f32 v1, v12;
	v15 =	vsel vm9, $0x3, v15  }
0xec: {  	vm0 =	veq.f32 v1, v12;
	vm4 =	vmand vm12, vm11;
	v15 =	vsel vm10, $0x2, v15  }
0xed: {  	v1 =	vsel vm0, $0xFF800000, v1;
	v2 =	vsel vm4, $0xFF800000, v2;
	v15 =	vsel vm11, $0x1, v15;
	v62 =	vpop (erf)  }
0xee: {  	v17 =	vmul.f32 $1.442695020e+00, v63;
	v20 =	vmax.f32 v1, v2;
	v61 =	vsel vm0, $0x0, v15;
	v16 =	vpop (erf)  }
0xef: {  	vm5 =	veq.s32 v61, $0x2;
	vm2 =	veq.s32 v61, $0x3;
	v16 =	vadd.f32 $1.000000000e+00, v16  }
0xf0: {  	vm6 =	veq.s32 v61, $0x4;
	vm7 =	veq.s32 v61, $0x5;
	v3 =	vsel vm5, $0xFF800000, v3  }
0xf1: {  	v5 =	vsel vm2, $0xFF800000, v42;
	(erf) = vrcp.f32 v16;
	v16 =	vmax.f32 v20, v3  }
0xf2: {  	vm3 =	veq.s32 v61, $0x6;
	v7 =	vsel vm6, $0xFF800000, v46;
	v16 =	vmax.f32 v16, v5  }
0xf3: {  	v9 =	vsel vm7, $0xFF800000, v50;
	(erf) = vpow2.f32 v17;
	v16 =	vmax.f32 v16, v7  }
0xf4: {  	vm1 =	veq.s32 v61, $0x7;
	v11 =	vsel vm3, $0xFF800000, v54;
	v21 =	vmax.f32 v16, v9  }
0xf5: {  	v13 =	vsel vm1, $0xFF800000, v56;
	v12 =	vmax.f32 v21, v11  }
0xf6: {  	v12 =	vmax.f32 v12, v13  }
0xf7: {  	vm13 =	veq.f32 v13, v12  }
0xf8: {  	vm14 =	veq.f32 v11, v12;
	v22 =	vsel vm13, $0x7, v0  }
0xf9: {  	vm15 =	veq.f32 v9, v12;
	v23 =	vsel vm14, $0x6, v22  }
0xfa: {  	vm12 =	veq.f32 v7, v12;
	v25 =	vsel vm15, $0x5, v23  }
0xfb: {  	vm13 =	veq.f32 v5, v12;
	v24 =	vpop (erf);
	v27 =	vsel vm12, $0x4, v25  }
0xfc: {  	vm14 =	veq.f32 v3, v12;
	vm15 =	veq.f32 v2, v12;
	v26 =	vpop (erf);
	v3 =	vsel vm13, $0x3, v27  }
0xfd: {  	vm12 =	vne.f32 v1, v12;
	v28 =	vadd.f32 $1.000000000e+00, v26;
	v2 =	vsel vm14, $0x2, v3  }
0xfe: {  	vm13 =	veq.f32 v1, v12;
	vm8 =	vmand vm12, vm15;
	v1 =	vsel vm15, $0x1, v2  }
0xff: {  	vm0 =	vmor vm0, vm13;
	(erf) = vrcp.f32 v28;
	v1 =	vsel vm13, $0x0, v1  }
0x100: {  	vm14 =	vmor vm4, vm8;
	v2 =	vnsel vm0, $0x0, v39;
	vm15 =	veq.s32 v1, $0x2  }
0x101: {  	[tilespmem:$0x4020] =	vst v2;
	v2 =	vnsel vm14, $0x0, v43;
	vm9 =	veq.s32 v1, $0x3;
	vm8 =	vmor vm5, vm15  }
0x102: {  	[tilespmem:$0x4060] =	vst v2;
	vm11 =	veq.s32 v1, $0x4;
	vm10 =	vmor vm2, vm9;
	v2 =	vnsel vm8, $0x0, v47  }
0x103: {  	vm13 =	veq.s32 v1, $0x5;
	vm12 =	vmor vm6, vm11;
	[tilespmem:$0x40A0] =	vst v2;
	v2 =	vnsel vm10, $0x0, v51  }
0x104: {  	vm14 =	vmor vm7, vm13;
	[tilespmem:$0x40E0] =	vst v2;
	v2 =	vnsel vm12, $0x0, v57  }
0x105: {  	[tilespmem:$0x4120] =	vst v2;
	v2 =	vnsel vm14, $0x0, v62  }
0x106: {  	vm15 =	veq.s32 v1, $0x6  }
0x107: {  	vm5 =	veq.s32 v1, $0x7;
	vm4 =	vmor vm3, vm15  }
0x108: {  	vm6 =	vmor vm1, vm5;
	v1 =	vnsel vm4, $0x0, v24;
	[tilespmem:$0x4160] =	vst v2;
	v2 =	vpop (erf)  }
0x109: {  	[tilespmem:$0x41A0] =	vst v1;
	v1 =	vnsel vm6, $0x0, v2  }
0x10a: {  	[tilespmem:$0x41E0] =	vst v1  }
0x10b: {  	v1 =	vld [tilespmem:s4+$0x30];
	_ =	sdelay $0x4  }
0x10c: {  	v2 =	vsub.f32 $0.0e+00, v1;
	_ =	sdelay $0x1  }
0x10d: {  	v2 =	vmul.f32 $1.442695020e+00, v2;
	_ =	sdelay $0x1  }
0x10e: {  	(erf) = vpow2.f32 v2;
	_ =	sdelay $0x3  }
0x10f: {  	v2 =	vld [tilespmem:s4+$0x830];
	_ =	sdelay $0x4  }
0x110: {  	v29 =	vsub.f32 $0.0e+00, v2;
	v3 =	vpop (erf)  }
0x111: {  	v3 =	vadd.f32 $1.000000000e+00, v3  }
0x112: {  	v4 =	vmul.f32 $1.442695020e+00, v29  }
0x113: {  	(erf) = vrcp.f32 v3  }
0x114: {  	(erf) = vpow2.f32 v4;
	_ =	sdelay $0x3  }
0x115: {  	v3 =	vld [tilespmem:s4+$0x1030];
	_ =	sdelay $0x3  }
0x116: {  	v30 =	vpop (erf)  }
0x117: {  	v32 =	vsub.f32 $0.0e+00, v3;
	v31 =	vpop (erf)  }
0x118: {  	v5 =	vadd.f32 $1.000000000e+00, v31  }
0x119: {  	v6 =	vmul.f32 $1.442695020e+00, v32  }
0x11a: {  	(erf) = vrcp.f32 v5  }
0x11b: {  	(erf) = vpow2.f32 v6;
	_ =	sdelay $0x3  }
0x11c: {  	v33 =	vld [tilespmem:s4+$0x1830];
	_ =	sdelay $0x3  }
0x11d: {  	v34 =	vpop (erf)  }
0x11e: {  	v36 =	vsub.f32 $0.0e+00, v33;
	v35 =	vpop (erf)  }
0x11f: {  	v7 =	vadd.f32 $1.000000000e+00, v35  }
0x120: {  	v8 =	vmul.f32 $1.442695020e+00, v36  }
0x121: {  	(erf) = vrcp.f32 v7  }
0x122: {  	(erf) = vpow2.f32 v8;
	_ =	sdelay $0x3  }
0x123: {  	v37 =	vld [tilespmem:s4+$0x2030];
	_ =	sdelay $0x3  }
0x124: {  	v38 =	vpop (erf)  }
0x125: {  	v40 =	vsub.f32 $0.0e+00, v37;
	v39 =	vpop (erf)  }
0x126: {  	v9 =	vadd.f32 $1.000000000e+00, v39  }
0x127: {  	v10 =	vmul.f32 $1.442695020e+00, v40  }
0x128: {  	(erf) = vrcp.f32 v9  }
0x129: {  	(erf) = vpow2.f32 v10;
	_ =	sdelay $0x3  }
0x12a: {  	v41 =	vld [tilespmem:s4+$0x2830];
	_ =	sdelay $0x3  }
0x12b: {  	v42 =	vpop (erf)  }
0x12c: {  	v44 =	vsub.f32 $0.0e+00, v41;
	v43 =	vpop (erf)  }
0x12d: {  	v11 =	vadd.f32 $1.000000000e+00, v43  }
0x12e: {  	v12 =	vmul.f32 $1.442695020e+00, v44  }
0x12f: {  	(erf) = vrcp.f32 v11  }
0x130: {  	(erf) = vpow2.f32 v12;
	_ =	sdelay $0x3  }
0x131: {  	v45 =	vld [tilespmem:s4+$0x3030];
	_ =	sdelay $0x3  }
0x132: {  	v46 =	vmax.f32 v1, v2;
	v48 =	vpop (erf)  }
0x133: {  	v47 =	vld [tilespmem:s4+$0x3830];
	v50 =	vsub.f32 $0.0e+00, v45;
	v12 =	vmax.f32 v46, v3;
	v49 =	vpop (erf)  }
0x134: {  	v12 =	vmax.f32 v12, v33;
	v15 =	vadd.f32 $1.000000000e+00, v49  }
0x135: {  	v16 =	vmul.f32 $1.442695020e+00, v50;
	v12 =	vmax.f32 v12, v37  }
0x136: {  	v12 =	vmax.f32 v12, v41;
	(erf) = vrcp.f32 v15  }
0x137: {  	v12 =	vmax.f32 v12, v45;
	(erf) = vpow2.f32 v16  }
0x138: {  	v12 =	vmax.f32 v12, v47  }
0x139: {  	vm7 =	veq.f32 v47, v12  }
0x13a: {  	vm8 =	veq.f32 v45, v12;
	v51 =	vsel vm7, $0x7, v0  }
0x13b: {  	v54 =	vsub.f32 $0.0e+00, v47;
	vm9 =	veq.f32 v41, v12;
	v15 =	vsel vm8, $0x6, v51  }
0x13c: {  	vm10 =	veq.f32 v37, v12;
	v15 =	vsel vm9, $0x5, v15  }
0x13d: {  	v17 =	vmul.f32 $1.442695020e+00, v54;
	vm11 =	veq.f32 v33, v12;
	v15 =	vsel vm10, $0x4, v15  }
0x13e: {  	vm12 =	veq.f32 v3, v12;
	vm13 =	veq.f32 v2, v12;
	v15 =	vsel vm11, $0x3, v15  }
0x13f: {  	vm0 =	veq.f32 v1, v12;
	vm14 =	vne.f32 v1, v12;
	v15 =	vsel vm12, $0x2, v15;
	v53 =	vpop (erf)  }
0x140: {  	v1 =	vsel vm0, $0xFF800000, v1;
	vm4 =	vmand vm14, vm13;
	v15 =	vsel vm13, $0x1, v15;
	v16 =	vpop (erf)  }
0x141: {  	v2 =	vsel vm4, $0xFF800000, v2;
	v52 =	vsel vm0, $0x0, v15;
	v16 =	vadd.f32 $1.000000000e+00, v16  }
0x142: {  	v55 =	vmax.f32 v1, v2;
	vm5 =	veq.s32 v52, $0x2;
	vm1 =	veq.s32 v52, $0x3  }
0x143: {  	vm6 =	veq.s32 v52, $0x4;
	v3 =	vsel vm5, $0xFF800000, v3;
	(erf) = vrcp.f32 v16  }
0x144: {  	v5 =	vsel vm1, $0xFF800000, v33;
	v16 =	vmax.f32 v55, v3;
	(erf) = vpow2.f32 v17  }
0x145: {  	vm7 =	veq.s32 v52, $0x5;
	v7 =	vsel vm6, $0xFF800000, v37;
	v16 =	vmax.f32 v16, v5  }
0x146: {  	vm2 =	veq.s32 v52, $0x6;
	v9 =	vsel vm7, $0xFF800000, v41;
	v16 =	vmax.f32 v16, v7  }
0x147: {  	vm3 =	veq.s32 v52, $0x7;
	v11 =	vsel vm2, $0xFF800000, v45;
	v56 =	vmax.f32 v16, v9  }
0x148: {  	v13 =	vsel vm3, $0xFF800000, v47;
	v12 =	vmax.f32 v56, v11  }
0x149: {  	v12 =	vmax.f32 v12, v13  }
0x14a: {  	vm15 =	veq.f32 v13, v12  }
0x14b: {  	vm12 =	veq.f32 v11, v12;
	v57 =	vsel vm15, $0x7, v0  }
0x14c: {  	vm13 =	veq.f32 v9, v12;
	v59 =	vsel vm12, $0x6, v57;
	v58 =	vpop (erf)  }
0x14d: {  	vm14 =	veq.f32 v7, v12;
	vm15 =	veq.f32 v5, v12;
	v60 =	vsel vm13, $0x5, v59;
	v61 =	vpop (erf)  }
0x14e: {  	vm12 =	veq.f32 v3, v12;
	v62 =	vsel vm14, $0x4, v60;
	v63 =	vadd.f32 $1.000000000e+00, v61  }
0x14f: {  	vm13 =	veq.f32 v2, v12;
	vm14 =	vne.f32 v1, v12;
	v3 =	vsel vm15, $0x3, v62  }
0x150: {  	vm15 =	veq.f32 v1, v12;
	v2 =	vsel vm12, $0x2, v3;
	(erf) = vrcp.f32 v63  }
0x151: {  	vm8 =	vmand vm14, vm13;
	vm0 =	vmor vm0, vm15;
	v1 =	vsel vm13, $0x1, v2  }
0x152: {  	vm12 =	vmor vm4, vm8;
	v2 =	vnsel vm0, $0x0, v30;
	v1 =	vsel vm15, $0x0, v1  }
0x153: {  	v3 =	vnsel vm12, $0x0, v34;
	vm13 =	veq.s32 v1, $0x2;
	vm15 =	veq.s32 v1, $0x3  }
0x154: {  	[tilespmem:$0x4030] =	vst v2;
	vm8 =	veq.s32 v1, $0x4;
	vm12 =	veq.s32 v1, $0x6;
	vm14 =	vmor vm5, vm13  }
0x155: {  	[tilespmem:$0x4070] =	vst v3;
	vm5 =	vmor vm1, vm15;
	vm9 =	vmor vm6, vm8;
	v2 =	vnsel vm14, $0x0, v38  }
0x156: {  	vm13 =	vmor vm2, vm12;
	v3 =	vnsel vm5, $0x0, v42;
	[tilespmem:$0x40B0] =	vst v2;
	v2 =	vnsel vm9, $0x0, v48  }
0x157: {  	vm10 =	veq.s32 v1, $0x5;
	vm14 =	veq.s32 v1, $0x7;
	v1 =	vnsel vm13, $0x0, v58;
	[tilespmem:$0x40F0] =	vst v3  }
0x158: {  	vm11 =	vmor vm7, vm10;
	[tilespmem:$0x41B0] =	vst v1  }
0x159: {  	v3 =	vnsel vm11, $0x0, v53;
	vm15 =	vmor vm3, vm14;
	[tilespmem:$0x4130] =	vst v2;
	v2 =	vpop (erf)  }
0x15a: {  	p0 =	sne.s32 s13, $0x1;
	[tilespmem:$0x4170] =	vst v3;
	v2 =	vnsel vm15, $0x0, v2  }
.Ltmp0:
0x15b: {  	[tilespmem:$0x41F0] =	vst v2;
	(pc) =	sbr.rel @p0 .LBB2_1-.Ltmp0, $4  }
0x15c: {  	[hbm4b:s12+s15] =	stream.strided.scatter [tilespmem:s17], [sflag:$0x1], $0x200, s16, s15, $0x38;
	[tilespmem:$0x4200] =	vst v63  }
0x15d: {  	_ =	swait.ge [sflag:s14], $0x200  }
0x15e: {  	[sflag:s14] =	ssyncset.done $0x0  }
0x15f: {  	s13 =	sadd.s32 $0xFFFFFFFF, s13;
	[sflag:s14] =	ssyncadd.s32 $0xFFFFFE00  }
0x160: {  	_ =	sfence.sel $0x180000  }
0x161: {  	[bflag:$0x0] =	sbarrier.arrive $0xFFFF  }
0x162: {  	p0 =	sne.s32 s2, $0x0;
	_ =	strace $0x90000047  }
0x163: {  	s0 =	sadd.s32 @!p0 $0x100000, s0;
	[bflag:$0x2] =	sbarrier.arrive $0xFFFF  }
0x164: {  	[sflag:s0] =	ssyncadd.tile.s32 @!p0 $0x1;
	_ =	shalt  }
.Lfunc_end2:
_tile_overlayer_lowered:
.L_overlay_start_2:
0x165: {  	(tag) =	ssettag $0x2  }
0x166: {  	s0 =	rddreg [dreg:$0x0];
	s2 =	stileid.u32  }
0x167: {  	s1 =	rddreg [dreg:$0x1];
	p0 =	sne.s32 s2, $0x0  }
0x168: {  	s3 =	rddreg [dreg:$0x2];
	[bflag:$0x3] =	sbarrier.arrive $0xFFFF;
	s2 =	simm.s32 @!p0 $0x1C01  }
0x169: {  	[timem:s3], [sflag:s2] =	dma.local @!p0 [hbm:s0], s1  }
0x16a: {  	s0 =	simm.s32 @!p0 $0x1  }
0x16b: {  	_ =	swait.ge @!p0 [sflag:s0], s1  }
0x16c: {  	s1 =	ssub.s32 @!p0 $0x0, s1;
	[sflag:s0] =	ssyncset.done @!p0 $0x0  }
0x16d: {  	[sflag:s0] =	ssyncadd.s32 @!p0 s1  }
0x16e: {  	[bflag:$0x3] =	sbarrier.arrive $0xFFFF  }
0x16f: {  	_ =	shalt  }

</sc_bundles>
